<compile_context>
chip_gen: v7x
topology: tpu7x:2x2x1
jax: 0.10.2.dev20260603
libtpu: 0.0.44.dev20260713+nightly
codegen_flags: <defaults>
</compile_context>

<pallas_src>
import functools

import jax
import jax.numpy as jnp
from jax import lax
from jax.experimental import pallas as pl
from jax.experimental.pallas import tpu as pltpu
from jax.experimental.pallas import tpu_sc as plsc

B, H, S, D, Q = 8, 8, 2048, 128, 1
HB = 4

NW = 32
ROWS = B * H * S
ROWS_PW = ROWS // NW
CH = 256
NCH = ROWS_PW // CH
NBUF = 3
RPW = (B * H) // NW
DUP = 8 // RPW


def _tc_k_body(pos_ref, k_ref, nk_ref, ko_ref):
    b = pl.program_id(0)
    p = pos_ref[b]
    ko_ref[...] = k_ref[...]
    ko_ref[0, :, p, :] = nk_ref[0, :, 0, :]


def _tc_k_update(k_cache, new_k, pos):
    cache_spec = pl.BlockSpec((1, HB, S, D), lambda b, h, pos_ref: (b, h, 0, 0))
    new_spec = pl.BlockSpec((1, HB, Q, D), lambda b, h, pos_ref: (b, h, 0, 0))
    grid_spec = pltpu.PrefetchScalarGridSpec(
        num_scalar_prefetch=1,
        grid=(B, H // HB),
        in_specs=[cache_spec, new_spec],
        out_specs=cache_spec,
    )
    return pl.pallas_call(
        _tc_k_body,
        grid_spec=grid_spec,
        out_shape=jax.ShapeDtypeStruct((B, H, S, D), k_cache.dtype),
    )(pos, k_cache, new_k)


def _sc_v_body(v_hbm, idx_hbm, rows_hbm, out_hbm,
               buf0, buf1, buf2, idx_v, rows_v, in_sem, out_sem, sc_sem):
    wid = lax.axis_index("s") * 2 + lax.axis_index("c")
    base = wid * ROWS_PW
    bufs = (buf0, buf1, buf2)
    in_copies = [None] * NBUF
    out_copies = [None] * NBUF
    for j in range(NBUF - 1):
        in_copies[j] = pltpu.async_copy(
            v_hbm.at[pl.ds(base + j * CH, CH)], bufs[j], in_sem.at[j])
    for i in range(NCH):
        cur = i % NBUF
        nxt = (i + NBUF - 1) % NBUF
        if i + NBUF - 1 < NCH:
            if out_copies[nxt] is not None:
                out_copies[nxt].wait()
            in_copies[nxt] = pltpu.async_copy(
                v_hbm.at[pl.ds(base + (i + NBUF - 1) * CH, CH)], bufs[nxt],
                in_sem.at[nxt])
        in_copies[cur].wait()
        out_copies[cur] = pltpu.async_copy(
            bufs[cur], out_hbm.at[pl.ds(base + i * CH, CH)], out_sem.at[cur])
    for j in range(NBUF):
        if out_copies[j] is not None:
            out_copies[j].wait()
    pltpu.sync_copy(idx_hbm.at[wid], idx_v)
    pltpu.sync_copy(rows_hbm.at[wid], rows_v)
    pltpu.async_copy(rows_v, out_hbm.at[idx_v], sc_sem).wait()


_sc_v_update = functools.partial(
    pl.kernel,
    out_type=jax.ShapeDtypeStruct((ROWS, D), jnp.float32),
    mesh=plsc.VectorSubcoreMesh(core_axis_name="c", subcore_axis_name="s"),
    scratch_types=[
        pltpu.VMEM((CH, D), jnp.float32),
        pltpu.VMEM((CH, D), jnp.float32),
        pltpu.VMEM((CH, D), jnp.float32),
        pltpu.VMEM((RPW * DUP,), jnp.int32),
        pltpu.VMEM((RPW * DUP, D), jnp.float32),
        pltpu.SemaphoreType.DMA((NBUF,)),
        pltpu.SemaphoreType.DMA((NBUF,)),
        pltpu.SemaphoreType.DMA,
    ],
)(_sc_v_body)


@jax.jit
def kernel(k_cache, v_cache, new_k, new_v, position_ids):
    pos = position_ids.reshape(B).astype(jnp.int32)

    rows = (jnp.arange(B, dtype=jnp.int32)[:, None] * (H * S)
            + jnp.arange(H, dtype=jnp.int32)[None, :] * S
            + pos[:, None])
    idx8 = jnp.tile(rows.reshape(NW, RPW), (1, DUP))
    rows8 = jnp.tile(new_v.reshape(NW, RPW, D), (1, DUP, 1))

    v_flat = v_cache.reshape(ROWS, D)
    v_out = _sc_v_update(v_flat, idx8, rows8).reshape(B, H, S, D)
    k_out = _tc_k_update(k_cache, new_k, pos)
    return (k_out, v_out)

# --- scband reference (transcript-rebuilt; emitter-appended) ---
"""Pipeline reference for scband-kvcache-manager-34007551050173 (READ-ONLY COPY).

The authoritative reference and input builder live on the scoring server;
editing this copy changes nothing except your own understanding.
"""

import jax, jax.numpy as jnp
import numpy as np

B, H, S, D, Q = 8, 8, 2048, 128, 1


def setup_inputs(seed: int = 0) -> dict:
    key = jax.random.key(seed)
    ks = jax.random.split(key, 5)
    k_cache = jax.random.normal(ks[0], (B, H, S, D), dtype=jnp.float32)
    v_cache = jax.random.normal(ks[1], (B, H, S, D), dtype=jnp.float32)
    new_k = jax.random.normal(ks[2], (B, H, Q, D), dtype=jnp.float32)
    new_v = jax.random.normal(ks[3], (B, H, Q, D), dtype=jnp.float32)
    position_ids = jax.random.randint(ks[4], (B, Q), 0, S, dtype=jnp.int32)
    return {
        'k_cache': k_cache,
        'v_cache': v_cache,
        'new_k': new_k,
        'new_v': new_v,
        'position_ids': position_ids,
    }


def reference(k_cache, v_cache, new_k, new_v, position_ids):
    # KVCacheManager.update_cache (decode path, right padding, continuous batching):
    # scatter-overwrite the latest Q tokens for each sequence into the
    # BHSD-layout K and V caches at per-sequence positions, then return the
    # updated caches (these are the tensors aliased back into past_key_values).
    b_idx = jnp.arange(B, dtype=position_ids.dtype)[:, None]  # [B, 1] -> broadcasts with [B, Q]
    # new_k/new_v are BHQD; gather/scatter indexing yields [B, Q, H, D] slots.
    new_k_bqhd = jnp.transpose(new_k, (0, 2, 1, 3))  # [B, Q, H, D]
    new_v_bqhd = jnp.transpose(new_v, (0, 2, 1, 3))  # [B, Q, H, D]
    k_updated = k_cache.at[b_idx, :, position_ids, :].set(new_k_bqhd)
    v_updated = v_cache.at[b_idx, :, position_ids, :].set(new_v_bqhd)
    return (k_updated, v_updated)

if __name__ == "__main__":
    import jax
    _d = setup_inputs()
    print(jax.jit(kernel)(*tuple(_d.values())))

</pallas_src>

<mosaic_0001>
#map = affine_map<(d0, d1) -> (0, 0)>
#map1 = affine_map<(d0, d1) -> (0, 0, 0)>
module attributes {stable_mosaic.version = 14 : i64} {
  func.func @_sc_v_body(%arg0: i32, %arg1: i32, %arg2: memref<131072x128xf32, #tpu.memory_space<hbm>>, %arg3: memref<32x8xi32, #tpu.memory_space<hbm>>, %arg4: memref<32x8x128xf32, #tpu.memory_space<hbm>>, %arg5: memref<131072x128xf32, #tpu.memory_space<hbm>>, %arg6: memref<256x128xf32, #tpu.memory_space<vmem>>, %arg7: memref<256x128xf32, #tpu.memory_space<vmem>>, %arg8: memref<256x128xf32, #tpu.memory_space<vmem>>, %arg9: memref<8xi32, #tpu.memory_space<vmem>>, %arg10: memref<8x128xf32, #tpu.memory_space<vmem>>, %arg11: memref<3x!tpu.dma_semaphore, #tpu.memory_space<semaphore_mem>>, %arg12: memref<3x!tpu.dma_semaphore, #tpu.memory_space<semaphore_mem>>, %arg13: memref<!tpu.dma_semaphore, #tpu.memory_space<semaphore_mem>>) attributes {dimension_semantics = [#tpu.dimension_semantics<core_parallel>, #tpu.dimension_semantics<subcore_parallel>], iteration_bounds = array<i64: 2, 16>, scalar_prefetch = 0 : i64, scratch_operands = 8 : i64, tpu.core_type = #tpu.core_type<sc_vector_subcore>, window_params = [{transform_indices = #map}, {transform_indices = #map}, {transform_indices = #map1}, {transform_indices = #map}]} {
    %mul3A = arith.constant 2 : i32
    %mul3A_0 = arith.muli %arg1, %mul3A : i32
    %add3A = arith.addi %mul3A_0, %arg0 : i32
    %mul3A_1 = arith.constant 4096 : i32
    %mul3A_2 = arith.muli %add3A, %mul3A_1 : i32
    %add3A_3 = arith.constant 0 : i32
    %add3A_4 = arith.addi %mul3A_2, %add3A_3 : i32
    %dma_start3A = arith.constant 0 : i32
    %dma_start3A_5 = arith.constant 0 : i32
    %dma_start3A_6 = tpu.memref_slice %arg2[%add3A_4, %dma_start3A_5] : memref<131072x128xf32, #tpu.memory_space<hbm>> -> memref<256x128xf32, #tpu.memory_space<hbm>>
    %dma_start3A_7 = tpu.memref_slice %arg11[%dma_start3A] : memref<3x!tpu.dma_semaphore, #tpu.memory_space<semaphore_mem>> -> memref<1x!tpu.dma_semaphore, #tpu.memory_space<semaphore_mem>>
    %dma_start3A_8 = tpu.memref_squeeze %dma_start3A_7 : memref<1x!tpu.dma_semaphore, #tpu.memory_space<semaphore_mem>> -> memref<!tpu.dma_semaphore, #tpu.memory_space<semaphore_mem>>
    %dma_start3A_9 = arith.constant 0 : i32
    %dma_start3A_10 = tpu.memref_slice %arg2[%add3A_4, %dma_start3A_9] : memref<131072x128xf32, #tpu.memory_space<hbm>> -> memref<256x128xf32, #tpu.memory_space<hbm>>
    tpu.enqueue_dma source(%dma_start3A_10 : memref<256x128xf32, #tpu.memory_space<hbm>>) target(%arg6 : memref<256x128xf32, #tpu.memory_space<vmem>>) target_semaphore(%dma_start3A_8 : memref<!tpu.dma_semaphore, #tpu.memory_space<semaphore_mem>>)
    %add3A_11 = arith.constant 256 : i32
    %add3A_12 = arith.addi %mul3A_2, %add3A_11 : i32
    %dma_start3A_13 = arith.constant 1 : i32
    %dma_start3A_14 = arith.constant 0 : i32
    %dma_start3A_15 = tpu.memref_slice %arg2[%add3A_12, %dma_start3A_14] : memref<131072x128xf32, #tpu.memory_space<hbm>> -> memref<256x128xf32, #tpu.memory_space<hbm>>
    %dma_start3A_16 = tpu.memref_slice %arg11[%dma_start3A_13] : memref<3x!tpu.dma_semaphore, #tpu.memory_space<semaphore_mem>> -> memref<1x!tpu.dma_semaphore, #tpu.memory_space<semaphore_mem>>
    %dma_start3A_17 = tpu.memref_squeeze %dma_start3A_16 : memref<1x!tpu.dma_semaphore, #tpu.memory_space<semaphore_mem>> -> memref<!tpu.dma_semaphore, #tpu.memory_space<semaphore_mem>>
    %dma_start3A_18 = arith.constant 0 : i32
    %dma_start3A_19 = tpu.memref_slice %arg2[%add3A_12, %dma_start3A_18] : memref<131072x128xf32, #tpu.memory_space<hbm>> -> memref<256x128xf32, #tpu.memory_space<hbm>>
    tpu.enqueue_dma source(%dma_start3A_19 : memref<256x128xf32, #tpu.memory_space<hbm>>) target(%arg7 : memref<256x128xf32, #tpu.memory_space<vmem>>) target_semaphore(%dma_start3A_17 : memref<!tpu.dma_semaphore, #tpu.memory_space<semaphore_mem>>)
    %add3A_20 = arith.constant 512 : i32
    %add3A_21 = arith.addi %mul3A_2, %add3A_20 : i32
    %dma_start3A_22 = arith.constant 2 : i32
    %dma_start3A_23 = arith.constant 0 : i32
    %dma_start3A_24 = tpu.memref_slice %arg2[%add3A_21, %dma_start3A_23] : memref<131072x128xf32, #tpu.memory_space<hbm>> -> memref<256x128xf32, #tpu.memory_space<hbm>>
    %dma_start3A_25 = tpu.memref_slice %arg11[%dma_start3A_22] : memref<3x!tpu.dma_semaphore, #tpu.memory_space<semaphore_mem>> -> memref<1x!tpu.dma_semaphore, #tpu.memory_space<semaphore_mem>>
    %dma_start3A_26 = tpu.memref_squeeze %dma_start3A_25 : memref<1x!tpu.dma_semaphore, #tpu.memory_space<semaphore_mem>> -> memref<!tpu.dma_semaphore, #tpu.memory_space<semaphore_mem>>
    %dma_start3A_27 = arith.constant 0 : i32
    %dma_start3A_28 = tpu.memref_slice %arg2[%add3A_21, %dma_start3A_27] : memref<131072x128xf32, #tpu.memory_space<hbm>> -> memref<256x128xf32, #tpu.memory_space<hbm>>
    tpu.enqueue_dma source(%dma_start3A_28 : memref<256x128xf32, #tpu.memory_space<hbm>>) target(%arg8 : memref<256x128xf32, #tpu.memory_space<vmem>>) target_semaphore(%dma_start3A_26 : memref<!tpu.dma_semaphore, #tpu.memory_space<semaphore_mem>>)
    %dma_wait3A = arith.constant 0 : i32
    %dma_wait3A_29 = arith.constant 0 : i32
    %dma_wait3A_30 = tpu.memref_slice %arg2[%add3A_4, %dma_wait3A_29] : memref<131072x128xf32, #tpu.memory_space<hbm>> -> memref<256x128xf32, #tpu.memory_space<hbm>>
    %dma_wait3A_31 = tpu.memref_slice %arg11[%dma_wait3A] : memref<3x!tpu.dma_semaphore, #tpu.memory_space<semaphore_mem>> -> memref<1x!tpu.dma_semaphore, #tpu.memory_space<semaphore_mem>>
    %dma_wait3A_32 = tpu.memref_squeeze %dma_wait3A_31 : memref<1x!tpu.dma_semaphore, #tpu.memory_space<semaphore_mem>> -> memref<!tpu.dma_semaphore, #tpu.memory_space<semaphore_mem>>
    %dma_wait3A_33 = arith.constant 0 : i32
    %dma_wait3A_34 = tpu.memref_slice %arg2[%add3A_4, %dma_wait3A_33] : memref<131072x128xf32, #tpu.memory_space<hbm>> -> memref<256x128xf32, #tpu.memory_space<hbm>>
    tpu.wait_dma2 semaphore(%dma_wait3A_32 : memref<!tpu.dma_semaphore, #tpu.memory_space<semaphore_mem>>) src(%dma_wait3A_34 : memref<256x128xf32, #tpu.memory_space<hbm>>) dst(%arg6 : memref<256x128xf32, #tpu.memory_space<vmem>>)
    %add3A_35 = arith.constant 0 : i32
    %add3A_36 = arith.addi %mul3A_2, %add3A_35 : i32
    %dma_start3A_37 = arith.constant 0 : i32
    %dma_start3A_38 = arith.constant 0 : i32
    %dma_start3A_39 = tpu.memref_slice %arg5[%add3A_36, %dma_start3A_38] : memref<131072x128xf32, #tpu.memory_space<hbm>> -> memref<256x128xf32, #tpu.memory_space<hbm>>
    %dma_start3A_40 = tpu.memref_slice %arg12[%dma_start3A_37] : memref<3x!tpu.dma_semaphore, #tpu.memory_space<semaphore_mem>> -> memref<1x!tpu.dma_semaphore, #tpu.memory_space<semaphore_mem>>
    %dma_start3A_41 = tpu.memref_squeeze %dma_start3A_40 : memref<1x!tpu.dma_semaphore, #tpu.memory_space<semaphore_mem>> -> memref<!tpu.dma_semaphore, #tpu.memory_space<semaphore_mem>>
    %dma_start3A_42 = arith.constant 0 : i32
    %dma_start3A_43 = tpu.memref_slice %arg5[%add3A_36, %dma_start3A_42] : memref<131072x128xf32, #tpu.memory_space<hbm>> -> memref<256x128xf32, #tpu.memory_space<hbm>>
    tpu.enqueue_dma source(%arg6 : memref<256x128xf32, #tpu.memory_space<vmem>>) target(%dma_start3A_43 : memref<256x128xf32, #tpu.memory_space<hbm>>) target_semaphore(%dma_start3A_41 : memref<!tpu.dma_semaphore, #tpu.memory_space<semaphore_mem>>)
    %dma_wait3A_44 = arith.constant 0 : i32
    %dma_wait3A_45 = arith.constant 0 : i32
    %dma_wait3A_46 = tpu.memref_slice %arg5[%add3A_36, %dma_wait3A_45] : memref<131072x128xf32, #tpu.memory_space<hbm>> -> memref<256x128xf32, #tpu.memory_space<hbm>>
    %dma_wait3A_47 = tpu.memref_slice %arg12[%dma_wait3A_44] : memref<3x!tpu.dma_semaphore, #tpu.memory_space<semaphore_mem>> -> memref<1x!tpu.dma_semaphore, #tpu.memory_space<semaphore_mem>>
    %dma_wait3A_48 = tpu.memref_squeeze %dma_wait3A_47 : memref<1x!tpu.dma_semaphore, #tpu.memory_space<semaphore_mem>> -> memref<!tpu.dma_semaphore, #tpu.memory_space<semaphore_mem>>
    %dma_wait3A_49 = arith.constant 0 : i32
    %dma_wait3A_50 = tpu.memref_slice %arg5[%add3A_36, %dma_wait3A_49] : memref<131072x128xf32, #tpu.memory_space<hbm>> -> memref<256x128xf32, #tpu.memory_space<hbm>>
    tpu.wait_dma2 semaphore(%dma_wait3A_48 : memref<!tpu.dma_semaphore, #tpu.memory_space<semaphore_mem>>) src(%arg6 : memref<256x128xf32, #tpu.memory_space<vmem>>) dst(%dma_wait3A_50 : memref<256x128xf32, #tpu.memory_space<hbm>>)
    %add3A_51 = arith.constant 768 : i32
    %add3A_52 = arith.addi %mul3A_2, %add3A_51 : i32
    %dma_start3A_53 = arith.constant 0 : i32
    %dma_start3A_54 = arith.constant 0 : i32
    %dma_start3A_55 = tpu.memref_slice %arg2[%add3A_52, %dma_start3A_54] : memref<131072x128xf32, #tpu.memory_space<hbm>> -> memref<256x128xf32, #tpu.memory_space<hbm>>
    %dma_start3A_56 = tpu.memref_slice %arg11[%dma_start3A_53] : memref<3x!tpu.dma_semaphore, #tpu.memory_space<semaphore_mem>> -> memref<1x!tpu.dma_semaphore, #tpu.memory_space<semaphore_mem>>
    %dma_start3A_57 = tpu.memref_squeeze %dma_start3A_56 : memref<1x!tpu.dma_semaphore, #tpu.memory_space<semaphore_mem>> -> memref<!tpu.dma_semaphore, #tpu.memory_space<semaphore_mem>>
    %dma_start3A_58 = arith.constant 0 : i32
    %dma_start3A_59 = tpu.memref_slice %arg2[%add3A_52, %dma_start3A_58] : memref<131072x128xf32, #tpu.memory_space<hbm>> -> memref<256x128xf32, #tpu.memory_space<hbm>>
    tpu.enqueue_dma source(%dma_start3A_59 : memref<256x128xf32, #tpu.memory_space<hbm>>) target(%arg6 : memref<256x128xf32, #tpu.memory_space<vmem>>) target_semaphore(%dma_start3A_57 : memref<!tpu.dma_semaphore, #tpu.memory_space<semaphore_mem>>)
    %dma_wait3A_60 = arith.constant 1 : i32
    %dma_wait3A_61 = arith.constant 0 : i32
    %dma_wait3A_62 = tpu.memref_slice %arg2[%add3A_12, %dma_wait3A_61] : memref<131072x128xf32, #tpu.memory_space<hbm>> -> memref<256x128xf32, #tpu.memory_space<hbm>>
    %dma_wait3A_63 = tpu.memref_slice %arg11[%dma_wait3A_60] : memref<3x!tpu.dma_semaphore, #tpu.memory_space<semaphore_mem>> -> memref<1x!tpu.dma_semaphore, #tpu.memory_space<semaphore_mem>>
    %dma_wait3A_64 = tpu.memref_squeeze %dma_wait3A_63 : memref<1x!tpu.dma_semaphore, #tpu.memory_space<semaphore_mem>> -> memref<!tpu.dma_semaphore, #tpu.memory_space<semaphore_mem>>
    %dma_wait3A_65 = arith.constant 0 : i32
    %dma_wait3A_66 = tpu.memref_slice %arg2[%add3A_12, %dma_wait3A_65] : memref<131072x128xf32, #tpu.memory_space<hbm>> -> memref<256x128xf32, #tpu.memory_space<hbm>>
    tpu.wait_dma2 semaphore(%dma_wait3A_64 : memref<!tpu.dma_semaphore, #tpu.memory_space<semaphore_mem>>) src(%dma_wait3A_66 : memref<256x128xf32, #tpu.memory_space<hbm>>) dst(%arg7 : memref<256x128xf32, #tpu.memory_space<vmem>>)
    %add3A_67 = arith.constant 256 : i32
    %add3A_68 = arith.addi %mul3A_2, %add3A_67 : i32
    %dma_start3A_69 = arith.constant 1 : i32
    %dma_start3A_70 = arith.constant 0 : i32
    %dma_start3A_71 = tpu.memref_slice %arg5[%add3A_68, %dma_start3A_70] : memref<131072x128xf32, #tpu.memory_space<hbm>> -> memref<256x128xf32, #tpu.memory_space<hbm>>
    %dma_start3A_72 = tpu.memref_slice %arg12[%dma_start3A_69] : memref<3x!tpu.dma_semaphore, #tpu.memory_space<semaphore_mem>> -> memref<1x!tpu.dma_semaphore, #tpu.memory_space<semaphore_mem>>
    %dma_start3A_73 = tpu.memref_squeeze %dma_start3A_72 : memref<1x!tpu.dma_semaphore, #tpu.memory_space<semaphore_mem>> -> memref<!tpu.dma_semaphore, #tpu.memory_space<semaphore_mem>>
    %dma_start3A_74 = arith.constant 0 : i32
    %dma_start3A_75 = tpu.memref_slice %arg5[%add3A_68, %dma_start3A_74] : memref<131072x128xf32, #tpu.memory_space<hbm>> -> memref<256x128xf32, #tpu.memory_space<hbm>>
    tpu.enqueue_dma source(%arg7 : memref<256x128xf32, #tpu.memory_space<vmem>>) target(%dma_start3A_75 : memref<256x128xf32, #tpu.memory_space<hbm>>) target_semaphore(%dma_start3A_73 : memref<!tpu.dma_semaphore, #tpu.memory_space<semaphore_mem>>)
    %dma_wait3A_76 = arith.constant 1 : i32
    %dma_wait3A_77 = arith.constant 0 : i32
    %dma_wait3A_78 = tpu.memref_slice %arg5[%add3A_68, %dma_wait3A_77] : memref<131072x128xf32, #tpu.memory_space<hbm>> -> memref<256x128xf32, #tpu.memory_space<hbm>>
    %dma_wait3A_79 = tpu.memref_slice %arg12[%dma_wait3A_76] : memref<3x!tpu.dma_semaphore, #tpu.memory_space<semaphore_mem>> -> memref<1x!tpu.dma_semaphore, #tpu.memory_space<semaphore_mem>>
    %dma_wait3A_80 = tpu.memref_squeeze %dma_wait3A_79 : memref<1x!tpu.dma_semaphore, #tpu.memory_space<semaphore_mem>> -> memref<!tpu.dma_semaphore, #tpu.memory_space<semaphore_mem>>
    %dma_wait3A_81 = arith.constant 0 : i32
    %dma_wait3A_82 = tpu.memref_slice %arg5[%add3A_68, %dma_wait3A_81] : memref<131072x128xf32, #tpu.memory_space<hbm>> -> memref<256x128xf32, #tpu.memory_space<hbm>>
    tpu.wait_dma2 semaphore(%dma_wait3A_80 : memref<!tpu.dma_semaphore, #tpu.memory_space<semaphore_mem>>) src(%arg7 : memref<256x128xf32, #tpu.memory_space<vmem>>) dst(%dma_wait3A_82 : memref<256x128xf32, #tpu.memory_space<hbm>>)
    %add3A_83 = arith.constant 1024 : i32
    %add3A_84 = arith.addi %mul3A_2, %add3A_83 : i32
    %dma_start3A_85 = arith.constant 1 : i32
    %dma_start3A_86 = arith.constant 0 : i32
    %dma_start3A_87 = tpu.memref_slice %arg2[%add3A_84, %dma_start3A_86] : memref<131072x128xf32, #tpu.memory_space<hbm>> -> memref<256x128xf32, #tpu.memory_space<hbm>>
    %dma_start3A_88 = tpu.memref_slice %arg11[%dma_start3A_85] : memref<3x!tpu.dma_semaphore, #tpu.memory_space<semaphore_mem>> -> memref<1x!tpu.dma_semaphore, #tpu.memory_space<semaphore_mem>>
    %dma_start3A_89 = tpu.memref_squeeze %dma_start3A_88 : memref<1x!tpu.dma_semaphore, #tpu.memory_space<semaphore_mem>> -> memref<!tpu.dma_semaphore, #tpu.memory_space<semaphore_mem>>
    %dma_start3A_90 = arith.constant 0 : i32
    %dma_start3A_91 = tpu.memref_slice %arg2[%add3A_84, %dma_start3A_90] : memref<131072x128xf32, #tpu.memory_space<hbm>> -> memref<256x128xf32, #tpu.memory_space<hbm>>
    tpu.enqueue_dma source(%dma_start3A_91 : memref<256x128xf32, #tpu.memory_space<hbm>>) target(%arg7 : memref<256x128xf32, #tpu.memory_space<vmem>>) target_semaphore(%dma_start3A_89 : memref<!tpu.dma_semaphore, #tpu.memory_space<semaphore_mem>>)
    %dma_wait3A_92 = arith.constant 2 : i32
    %dma_wait3A_93 = arith.constant 0 : i32
    %dma_wait3A_94 = tpu.memref_slice %arg2[%add3A_21, %dma_wait3A_93] : memref<131072x128xf32, #tpu.memory_space<hbm>> -> memref<256x128xf32, #tpu.memory_space<hbm>>
    %dma_wait3A_95 = tpu.memref_slice %arg11[%dma_wait3A_92] : memref<3x!tpu.dma_semaphore, #tpu.memory_space<semaphore_mem>> -> memref<1x!tpu.dma_semaphore, #tpu.memory_space<semaphore_mem>>
    %dma_wait3A_96 = tpu.memref_squeeze %dma_wait3A_95 : memref<1x!tpu.dma_semaphore, #tpu.memory_space<semaphore_mem>> -> memref<!tpu.dma_semaphore, #tpu.memory_space<semaphore_mem>>
    %dma_wait3A_97 = arith.constant 0 : i32
    %dma_wait3A_98 = tpu.memref_slice %arg2[%add3A_21, %dma_wait3A_97] : memref<131072x128xf32, #tpu.memory_space<hbm>> -> memref<256x128xf32, #tpu.memory_space<hbm>>
    tpu.wait_dma2 semaphore(%dma_wait3A_96 : memref<!tpu.dma_semaphore, #tpu.memory_space<semaphore_mem>>) src(%dma_wait3A_98 : memref<256x128xf32, #tpu.memory_space<hbm>>) dst(%arg8 : memref<256x128xf32, #tpu.memory_space<vmem>>)
    %add3A_99 = arith.constant 512 : i32
    %add3A_100 = arith.addi %mul3A_2, %add3A_99 : i32
    %dma_start3A_101 = arith.constant 2 : i32
    %dma_start3A_102 = arith.constant 0 : i32
    %dma_start3A_103 = tpu.memref_slice %arg5[%add3A_100, %dma_start3A_102] : memref<131072x128xf32, #tpu.memory_space<hbm>> -> memref<256x128xf32, #tpu.memory_space<hbm>>
    %dma_start3A_104 = tpu.memref_slice %arg12[%dma_start3A_101] : memref<3x!tpu.dma_semaphore, #tpu.memory_space<semaphore_mem>> -> memref<1x!tpu.dma_semaphore, #tpu.memory_space<semaphore_mem>>
    %dma_start3A_105 = tpu.memref_squeeze %dma_start3A_104 : memref<1x!tpu.dma_semaphore, #tpu.memory_space<semaphore_mem>> -> memref<!tpu.dma_semaphore, #tpu.memory_space<semaphore_mem>>
    %dma_start3A_106 = arith.constant 0 : i32
    %dma_start3A_107 = tpu.memref_slice %arg5[%add3A_100, %dma_start3A_106] : memref<131072x128xf32, #tpu.memory_space<hbm>> -> memref<256x128xf32, #tpu.memory_space<hbm>>
    tpu.enqueue_dma source(%arg8 : memref<256x128xf32, #tpu.memory_space<vmem>>) target(%dma_start3A_107 : memref<256x128xf32, #tpu.memory_space<hbm>>) target_semaphore(%dma_start3A_105 : memref<!tpu.dma_semaphore, #tpu.memory_space<semaphore_mem>>)
    %dma_wait3A_108 = arith.constant 2 : i32
    %dma_wait3A_109 = arith.constant 0 : i32
    %dma_wait3A_110 = tpu.memref_slice %arg5[%add3A_100, %dma_wait3A_109] : memref<131072x128xf32, #tpu.memory_space<hbm>> -> memref<256x128xf32, #tpu.memory_space<hbm>>
    %dma_wait3A_111 = tpu.memref_slice %arg12[%dma_wait3A_108] : memref<3x!tpu.dma_semaphore, #tpu.memory_space<semaphore_mem>> -> memref<1x!tpu.dma_semaphore, #tpu.memory_space<semaphore_mem>>
    %dma_wait3A_112 = tpu.memref_squeeze %dma_wait3A_111 : memref<1x!tpu.dma_semaphore, #tpu.memory_space<semaphore_mem>> -> memref<!tpu.dma_semaphore, #tpu.memory_space<semaphore_mem>>
    %dma_wait3A_113 = arith.constant 0 : i32
    %dma_wait3A_114 = tpu.memref_slice %arg5[%add3A_100, %dma_wait3A_113] : memref<131072x128xf32, #tpu.memory_space<hbm>> -> memref<256x128xf32, #tpu.memory_space<hbm>>
    tpu.wait_dma2 semaphore(%dma_wait3A_112 : memref<!tpu.dma_semaphore, #tpu.memory_space<semaphore_mem>>) src(%arg8 : memref<256x128xf32, #tpu.memory_space<vmem>>) dst(%dma_wait3A_114 : memref<256x128xf32, #tpu.memory_space<hbm>>)
    %add3A_115 = arith.constant 1280 : i32
    %add3A_116 = arith.addi %mul3A_2, %add3A_115 : i32
    %dma_start3A_117 = arith.constant 2 : i32
    %dma_start3A_118 = arith.constant 0 : i32
    %dma_start3A_119 = tpu.memref_slice %arg2[%add3A_116, %dma_start3A_118] : memref<131072x128xf32, #tpu.memory_space<hbm>> -> memref<256x128xf32, #tpu.memory_space<hbm>>
    %dma_start3A_120 = tpu.memref_slice %arg11[%dma_start3A_117] : memref<3x!tpu.dma_semaphore, #tpu.memory_space<semaphore_mem>> -> memref<1x!tpu.dma_semaphore, #tpu.memory_space<semaphore_mem>>
    %dma_start3A_121 = tpu.memref_squeeze %dma_start3A_120 : memref<1x!tpu.dma_semaphore, #tpu.memory_space<semaphore_mem>> -> memref<!tpu.dma_semaphore, #tpu.memory_space<semaphore_mem>>
    %dma_start3A_122 = arith.constant 0 : i32
    %dma_start3A_123 = tpu.memref_slice %arg2[%add3A_116, %dma_start3A_122] : memref<131072x128xf32, #tpu.memory_space<hbm>> -> memref<256x128xf32, #tpu.memory_space<hbm>>
    tpu.enqueue_dma source(%dma_start3A_123 : memref<256x128xf32, #tpu.memory_space<hbm>>) target(%arg8 : memref<256x128xf32, #tpu.memory_space<vmem>>) target_semaphore(%dma_start3A_121 : memref<!tpu.dma_semaphore, #tpu.memory_space<semaphore_mem>>)
    %dma_wait3A_124 = arith.constant 0 : i32
    %dma_wait3A_125 = arith.constant 0 : i32
    %dma_wait3A_126 = tpu.memref_slice %arg2[%add3A_52, %dma_wait3A_125] : memref<131072x128xf32, #tpu.memory_space<hbm>> -> memref<256x128xf32, #tpu.memory_space<hbm>>
    %dma_wait3A_127 = tpu.memref_slice %arg11[%dma_wait3A_124] : memref<3x!tpu.dma_semaphore, #tpu.memory_space<semaphore_mem>> -> memref<1x!tpu.dma_semaphore, #tpu.memory_space<semaphore_mem>>
    %dma_wait3A_128 = tpu.memref_squeeze %dma_wait3A_127 : memref<1x!tpu.dma_semaphore, #tpu.memory_space<semaphore_mem>> -> memref<!tpu.dma_semaphore, #tpu.memory_space<semaphore_mem>>
    %dma_wait3A_129 = arith.constant 0 : i32
    %dma_wait3A_130 = tpu.memref_slice %arg2[%add3A_52, %dma_wait3A_129] : memref<131072x128xf32, #tpu.memory_space<hbm>> -> memref<256x128xf32, #tpu.memory_space<hbm>>
    tpu.wait_dma2 semaphore(%dma_wait3A_128 : memref<!tpu.dma_semaphore, #tpu.memory_space<semaphore_mem>>) src(%dma_wait3A_130 : memref<256x128xf32, #tpu.memory_space<hbm>>) dst(%arg6 : memref<256x128xf32, #tpu.memory_space<vmem>>)
    %add3A_131 = arith.constant 768 : i32
    %add3A_132 = arith.addi %mul3A_2, %add3A_131 : i32
    %dma_start3A_133 = arith.constant 0 : i32
    %dma_start3A_134 = arith.constant 0 : i32
    %dma_start3A_135 = tpu.memref_slice %arg5[%add3A_132, %dma_start3A_134] : memref<131072x128xf32, #tpu.memory_space<hbm>> -> memref<256x128xf32, #tpu.memory_space<hbm>>
    %dma_start3A_136 = tpu.memref_slice %arg12[%dma_start3A_133] : memref<3x!tpu.dma_semaphore, #tpu.memory_space<semaphore_mem>> -> memref<1x!tpu.dma_semaphore, #tpu.memory_space<semaphore_mem>>
    %dma_start3A_137 = tpu.memref_squeeze %dma_start3A_136 : memref<1x!tpu.dma_semaphore, #tpu.memory_space<semaphore_mem>> -> memref<!tpu.dma_semaphore, #tpu.memory_space<semaphore_mem>>
    %dma_start3A_138 = arith.constant 0 : i32
    %dma_start3A_139 = tpu.memref_slice %arg5[%add3A_132, %dma_start3A_138] : memref<131072x128xf32, #tpu.memory_space<hbm>> -> memref<256x128xf32, #tpu.memory_space<hbm>>
    tpu.enqueue_dma source(%arg6 : memref<256x128xf32, #tpu.memory_space<vmem>>) target(%dma_start3A_139 : memref<256x128xf32, #tpu.memory_space<hbm>>) target_semaphore(%dma_start3A_137 : memref<!tpu.dma_semaphore, #tpu.memory_space<semaphore_mem>>)
    %dma_wait3A_140 = arith.constant 0 : i32
    %dma_wait3A_141 = arith.constant 0 : i32
    %dma_wait3A_142 = tpu.memref_slice %arg5[%add3A_132, %dma_wait3A_141] : memref<131072x128xf32, #tpu.memory_space<hbm>> -> memref<256x128xf32, #tpu.memory_space<hbm>>
    %dma_wait3A_143 = tpu.memref_slice %arg12[%dma_wait3A_140] : memref<3x!tpu.dma_semaphore, #tpu.memory_space<semaphore_mem>> -> memref<1x!tpu.dma_semaphore, #tpu.memory_space<semaphore_mem>>
    %dma_wait3A_144 = tpu.memref_squeeze %dma_wait3A_143 : memref<1x!tpu.dma_semaphore, #tpu.memory_space<semaphore_mem>> -> memref<!tpu.dma_semaphore, #tpu.memory_space<semaphore_mem>>
    %dma_wait3A_145 = arith.constant 0 : i32
    %dma_wait3A_146 = tpu.memref_slice %arg5[%add3A_132, %dma_wait3A_145] : memref<131072x128xf32, #tpu.memory_space<hbm>> -> memref<256x128xf32, #tpu.memory_space<hbm>>
    tpu.wait_dma2 semaphore(%dma_wait3A_144 : memref<!tpu.dma_semaphore, #tpu.memory_space<semaphore_mem>>) src(%arg6 : memref<256x128xf32, #tpu.memory_space<vmem>>) dst(%dma_wait3A_146 : memref<256x128xf32, #tpu.memory_space<hbm>>)
    %add3A_147 = arith.constant 1536 : i32
    %add3A_148 = arith.addi %mul3A_2, %add3A_147 : i32
    %dma_start3A_149 = arith.constant 0 : i32
    %dma_start3A_150 = arith.constant 0 : i32
    %dma_start3A_151 = tpu.memref_slice %arg2[%add3A_148, %dma_start3A_150] : memref<131072x128xf32, #tpu.memory_space<hbm>> -> memref<256x128xf32, #tpu.memory_space<hbm>>
    %dma_start3A_152 = tpu.memref_slice %arg11[%dma_start3A_149] : memref<3x!tpu.dma_semaphore, #tpu.memory_space<semaphore_mem>> -> memref<1x!tpu.dma_semaphore, #tpu.memory_space<semaphore_mem>>
    %dma_start3A_153 = tpu.memref_squeeze %dma_start3A_152 : memref<1x!tpu.dma_semaphore, #tpu.memory_space<semaphore_mem>> -> memref<!tpu.dma_semaphore, #tpu.memory_space<semaphore_mem>>
    %dma_start3A_154 = arith.constant 0 : i32
    %dma_start3A_155 = tpu.memref_slice %arg2[%add3A_148, %dma_start3A_154] : memref<131072x128xf32, #tpu.memory_space<hbm>> -> memref<256x128xf32, #tpu.memory_space<hbm>>
    tpu.enqueue_dma source(%dma_start3A_155 : memref<256x128xf32, #tpu.memory_space<hbm>>) target(%arg6 : memref<256x128xf32, #tpu.memory_space<vmem>>) target_semaphore(%dma_start3A_153 : memref<!tpu.dma_semaphore, #tpu.memory_space<semaphore_mem>>)
    %dma_wait3A_156 = arith.constant 1 : i32
    %dma_wait3A_157 = arith.constant 0 : i32
    %dma_wait3A_158 = tpu.memref_slice %arg2[%add3A_84, %dma_wait3A_157] : memref<131072x128xf32, #tpu.memory_space<hbm>> -> memref<256x128xf32, #tpu.memory_space<hbm>>
    %dma_wait3A_159 = tpu.memref_slice %arg11[%dma_wait3A_156] : memref<3x!tpu.dma_semaphore, #tpu.memory_space<semaphore_mem>> -> memref<1x!tpu.dma_semaphore, #tpu.memory_space<semaphore_mem>>
    %dma_wait3A_160 = tpu.memref_squeeze %dma_wait3A_159 : memref<1x!tpu.dma_semaphore, #tpu.memory_space<semaphore_mem>> -> memref<!tpu.dma_semaphore, #tpu.memory_space<semaphore_mem>>
    %dma_wait3A_161 = arith.constant 0 : i32
    %dma_wait3A_162 = tpu.memref_slice %arg2[%add3A_84, %dma_wait3A_161] : memref<131072x128xf32, #tpu.memory_space<hbm>> -> memref<256x128xf32, #tpu.memory_space<hbm>>
    tpu.wait_dma2 semaphore(%dma_wait3A_160 : memref<!tpu.dma_semaphore, #tpu.memory_space<semaphore_mem>>) src(%dma_wait3A_162 : memref<256x128xf32, #tpu.memory_space<hbm>>) dst(%arg7 : memref<256x128xf32, #tpu.memory_space<vmem>>)
    %add3A_163 = arith.constant 1024 : i32
    %add3A_164 = arith.addi %mul3A_2, %add3A_163 : i32
    %dma_start3A_165 = arith.constant 1 : i32
    %dma_start3A_166 = arith.constant 0 : i32
    %dma_start3A_167 = tpu.memref_slice %arg5[%add3A_164, %dma_start3A_166] : memref<131072x128xf32, #tpu.memory_space<hbm>> -> memref<256x128xf32, #tpu.memory_space<hbm>>
    %dma_start3A_168 = tpu.memref_slice %arg12[%dma_start3A_165] : memref<3x!tpu.dma_semaphore, #tpu.memory_space<semaphore_mem>> -> memref<1x!tpu.dma_semaphore, #tpu.memory_space<semaphore_mem>>
    %dma_start3A_169 = tpu.memref_squeeze %dma_start3A_168 : memref<1x!tpu.dma_semaphore, #tpu.memory_space<semaphore_mem>> -> memref<!tpu.dma_semaphore, #tpu.memory_space<semaphore_mem>>
    %dma_start3A_170 = arith.constant 0 : i32
    %dma_start3A_171 = tpu.memref_slice %arg5[%add3A_164, %dma_start3A_170] : memref<131072x128xf32, #tpu.memory_space<hbm>> -> memref<256x128xf32, #tpu.memory_space<hbm>>
    tpu.enqueue_dma source(%arg7 : memref<256x128xf32, #tpu.memory_space<vmem>>) target(%dma_start3A_171 : memref<256x128xf32, #tpu.memory_space<hbm>>) target_semaphore(%dma_start3A_169 : memref<!tpu.dma_semaphore, #tpu.memory_space<semaphore_mem>>)
    %dma_wait3A_172 = arith.constant 1 : i32
    %dma_wait3A_173 = arith.constant 0 : i32
    %dma_wait3A_174 = tpu.memref_slice %arg5[%add3A_164, %dma_wait3A_173] : memref<131072x128xf32, #tpu.memory_space<hbm>> -> memref<256x128xf32, #tpu.memory_space<hbm>>
    %dma_wait3A_175 = tpu.memref_slice %arg12[%dma_wait3A_172] : memref<3x!tpu.dma_semaphore, #tpu.memory_space<semaphore_mem>> -> memref<1x!tpu.dma_semaphore, #tpu.memory_space<semaphore_mem>>
    %dma_wait3A_176 = tpu.memref_squeeze %dma_wait3A_175 : memref<1x!tpu.dma_semaphore, #tpu.memory_space<semaphore_mem>> -> memref<!tpu.dma_semaphore, #tpu.memory_space<semaphore_mem>>
    %dma_wait3A_177 = arith.constant 0 : i32
    %dma_wait3A_178 = tpu.memref_slice %arg5[%add3A_164, %dma_wait3A_177] : memref<131072x128xf32, #tpu.memory_space<hbm>> -> memref<256x128xf32, #tpu.memory_space<hbm>>
    tpu.wait_dma2 semaphore(%dma_wait3A_176 : memref<!tpu.dma_semaphore, #tpu.memory_space<semaphore_mem>>) src(%arg7 : memref<256x128xf32, #tpu.memory_space<vmem>>) dst(%dma_wait3A_178 : memref<256x128xf32, #tpu.memory_space<hbm>>)
    %add3A_179 = arith.constant 1792 : i32
    %add3A_180 = arith.addi %mul3A_2, %add3A_179 : i32
    %dma_start3A_181 = arith.constant 1 : i32
    %dma_start3A_182 = arith.constant 0 : i32
    %dma_start3A_183 = tpu.memref_slice %arg2[%add3A_180, %dma_start3A_182] : memref<131072x128xf32, #tpu.memory_space<hbm>> -> memref<256x128xf32, #tpu.memory_space<hbm>>
    %dma_start3A_184 = tpu.memref_slice %arg11[%dma_start3A_181] : memref<3x!tpu.dma_semaphore, #tpu.memory_space<semaphore_mem>> -> memref<1x!tpu.dma_semaphore, #tpu.memory_space<semaphore_mem>>
    %dma_start3A_185 = tpu.memref_squeeze %dma_start3A_184 : memref<1x!tpu.dma_semaphore, #tpu.memory_space<semaphore_mem>> -> memref<!tpu.dma_semaphore, #tpu.memory_space<semaphore_mem>>
    %dma_start3A_186 = arith.constant 0 : i32
    %dma_start3A_187 = tpu.memref_slice %arg2[%add3A_180, %dma_start3A_186] : memref<131072x128xf32, #tpu.memory_space<hbm>> -> memref<256x128xf32, #tpu.memory_space<hbm>>
    tpu.enqueue_dma source(%dma_start3A_187 : memref<256x128xf32, #tpu.memory_space<hbm>>) target(%arg7 : memref<256x128xf32, #tpu.memory_space<vmem>>) target_semaphore(%dma_start3A_185 : memref<!tpu.dma_semaphore, #tpu.memory_space<semaphore_mem>>)
    %dma_wait3A_188 = arith.constant 2 : i32
    %dma_wait3A_189 = arith.constant 0 : i32
    %dma_wait3A_190 = tpu.memref_slice %arg2[%add3A_116, %dma_wait3A_189] : memref<131072x128xf32, #tpu.memory_space<hbm>> -> memref<256x128xf32, #tpu.memory_space<hbm>>
    %dma_wait3A_191 = tpu.memref_slice %arg11[%dma_wait3A_188] : memref<3x!tpu.dma_semaphore, #tpu.memory_space<semaphore_mem>> -> memref<1x!tpu.dma_semaphore, #tpu.memory_space<semaphore_mem>>
    %dma_wait3A_192 = tpu.memref_squeeze %dma_wait3A_191 : memref<1x!tpu.dma_semaphore, #tpu.memory_space<semaphore_mem>> -> memref<!tpu.dma_semaphore, #tpu.memory_space<semaphore_mem>>
    %dma_wait3A_193 = arith.constant 0 : i32
    %dma_wait3A_194 = tpu.memref_slice %arg2[%add3A_116, %dma_wait3A_193] : memref<131072x128xf32, #tpu.memory_space<hbm>> -> memref<256x128xf32, #tpu.memory_space<hbm>>
    tpu.wait_dma2 semaphore(%dma_wait3A_192 : memref<!tpu.dma_semaphore, #tpu.memory_space<semaphore_mem>>) src(%dma_wait3A_194 : memref<256x128xf32, #tpu.memory_space<hbm>>) dst(%arg8 : memref<256x128xf32, #tpu.memory_space<vmem>>)
    %add3A_195 = arith.constant 1280 : i32
    %add3A_196 = arith.addi %mul3A_2, %add3A_195 : i32
    %dma_start3A_197 = arith.constant 2 : i32
    %dma_start3A_198 = arith.constant 0 : i32
    %dma_start3A_199 = tpu.memref_slice %arg5[%add3A_196, %dma_start3A_198] : memref<131072x128xf32, #tpu.memory_space<hbm>> -> memref<256x128xf32, #tpu.memory_space<hbm>>
    %dma_start3A_200 = tpu.memref_slice %arg12[%dma_start3A_197] : memref<3x!tpu.dma_semaphore, #tpu.memory_space<semaphore_mem>> -> memref<1x!tpu.dma_semaphore, #tpu.memory_space<semaphore_mem>>
    %dma_start3A_201 = tpu.memref_squeeze %dma_start3A_200 : memref<1x!tpu.dma_semaphore, #tpu.memory_space<semaphore_mem>> -> memref<!tpu.dma_semaphore, #tpu.memory_space<semaphore_mem>>
    %dma_start3A_202 = arith.constant 0 : i32
    %dma_start3A_203 = tpu.memref_slice %arg5[%add3A_196, %dma_start3A_202] : memref<131072x128xf32, #tpu.memory_space<hbm>> -> memref<256x128xf32, #tpu.memory_space<hbm>>
    tpu.enqueue_dma source(%arg8 : memref<256x128xf32, #tpu.memory_space<vmem>>) target(%dma_start3A_203 : memref<256x128xf32, #tpu.memory_space<hbm>>) target_semaphore(%dma_start3A_201 : memref<!tpu.dma_semaphore, #tpu.memory_space<semaphore_mem>>)
    %dma_wait3A_204 = arith.constant 2 : i32
    %dma_wait3A_205 = arith.constant 0 : i32
    %dma_wait3A_206 = tpu.memref_slice %arg5[%add3A_196, %dma_wait3A_205] : memref<131072x128xf32, #tpu.memory_space<hbm>> -> memref<256x128xf32, #tpu.memory_space<hbm>>
    %dma_wait3A_207 = tpu.memref_slice %arg12[%dma_wait3A_204] : memref<3x!tpu.dma_semaphore, #tpu.memory_space<semaphore_mem>> -> memref<1x!tpu.dma_semaphore, #tpu.memory_space<semaphore_mem>>
    %dma_wait3A_208 = tpu.memref_squeeze %dma_wait3A_207 : memref<1x!tpu.dma_semaphore, #tpu.memory_space<semaphore_mem>> -> memref<!tpu.dma_semaphore, #tpu.memory_space<semaphore_mem>>
    %dma_wait3A_209 = arith.constant 0 : i32
    %dma_wait3A_210 = tpu.memref_slice %arg5[%add3A_196, %dma_wait3A_209] : memref<131072x128xf32, #tpu.memory_space<hbm>> -> memref<256x128xf32, #tpu.memory_space<hbm>>
    tpu.wait_dma2 semaphore(%dma_wait3A_208 : memref<!tpu.dma_semaphore, #tpu.memory_space<semaphore_mem>>) src(%arg8 : memref<256x128xf32, #tpu.memory_space<vmem>>) dst(%dma_wait3A_210 : memref<256x128xf32, #tpu.memory_space<hbm>>)
    %add3A_211 = arith.constant 2048 : i32
    %add3A_212 = arith.addi %mul3A_2, %add3A_211 : i32
    %dma_start3A_213 = arith.constant 2 : i32
    %dma_start3A_214 = arith.constant 0 : i32
    %dma_start3A_215 = tpu.memref_slice %arg2[%add3A_212, %dma_start3A_214] : memref<131072x128xf32, #tpu.memory_space<hbm>> -> memref<256x128xf32, #tpu.memory_space<hbm>>
    %dma_start3A_216 = tpu.memref_slice %arg11[%dma_start3A_213] : memref<3x!tpu.dma_semaphore, #tpu.memory_space<semaphore_mem>> -> memref<1x!tpu.dma_semaphore, #tpu.memory_space<semaphore_mem>>
    %dma_start3A_217 = tpu.memref_squeeze %dma_start3A_216 : memref<1x!tpu.dma_semaphore, #tpu.memory_space<semaphore_mem>> -> memref<!tpu.dma_semaphore, #tpu.memory_space<semaphore_mem>>
    %dma_start3A_218 = arith.constant 0 : i32
    %dma_start3A_219 = tpu.memref_slice %arg2[%add3A_212, %dma_start3A_218] : memref<131072x128xf32, #tpu.memory_space<hbm>> -> memref<256x128xf32, #tpu.memory_space<hbm>>
    tpu.enqueue_dma source(%dma_start3A_219 : memref<256x128xf32, #tpu.memory_space<hbm>>) target(%arg8 : memref<256x128xf32, #tpu.memory_space<vmem>>) target_semaphore(%dma_start3A_217 : memref<!tpu.dma_semaphore, #tpu.memory_space<semaphore_mem>>)
    %dma_wait3A_220 = arith.constant 0 : i32
    %dma_wait3A_221 = arith.constant 0 : i32
    %dma_wait3A_222 = tpu.memref_slice %arg2[%add3A_148, %dma_wait3A_221] : memref<131072x128xf32, #tpu.memory_space<hbm>> -> memref<256x128xf32, #tpu.memory_space<hbm>>
    %dma_wait3A_223 = tpu.memref_slice %arg11[%dma_wait3A_220] : memref<3x!tpu.dma_semaphore, #tpu.memory_space<semaphore_mem>> -> memref<1x!tpu.dma_semaphore, #tpu.memory_space<semaphore_mem>>
    %dma_wait3A_224 = tpu.memref_squeeze %dma_wait3A_223 : memref<1x!tpu.dma_semaphore, #tpu.memory_space<semaphore_mem>> -> memref<!tpu.dma_semaphore, #tpu.memory_space<semaphore_mem>>
    %dma_wait3A_225 = arith.constant 0 : i32
    %dma_wait3A_226 = tpu.memref_slice %arg2[%add3A_148, %dma_wait3A_225] : memref<131072x128xf32, #tpu.memory_space<hbm>> -> memref<256x128xf32, #tpu.memory_space<hbm>>
    tpu.wait_dma2 semaphore(%dma_wait3A_224 : memref<!tpu.dma_semaphore, #tpu.memory_space<semaphore_mem>>) src(%dma_wait3A_226 : memref<256x128xf32, #tpu.memory_space<hbm>>) dst(%arg6 : memref<256x128xf32, #tpu.memory_space<vmem>>)
    %add3A_227 = arith.constant 1536 : i32
    %add3A_228 = arith.addi %mul3A_2, %add3A_227 : i32
    %dma_start3A_229 = arith.constant 0 : i32
    %dma_start3A_230 = arith.constant 0 : i32
    %dma_start3A_231 = tpu.memref_slice %arg5[%add3A_228, %dma_start3A_230] : memref<131072x128xf32, #tpu.memory_space<hbm>> -> memref<256x128xf32, #tpu.memory_space<hbm>>
    %dma_start3A_232 = tpu.memref_slice %arg12[%dma_start3A_229] : memref<3x!tpu.dma_semaphore, #tpu.memory_space<semaphore_mem>> -> memref<1x!tpu.dma_semaphore, #tpu.memory_space<semaphore_mem>>
    %dma_start3A_233 = tpu.memref_squeeze %dma_start3A_232 : memref<1x!tpu.dma_semaphore, #tpu.memory_space<semaphore_mem>> -> memref<!tpu.dma_semaphore, #tpu.memory_space<semaphore_mem>>
    %dma_start3A_234 = arith.constant 0 : i32
    %dma_start3A_235 = tpu.memref_slice %arg5[%add3A_228, %dma_start3A_234] : memref<131072x128xf32, #tpu.memory_space<hbm>> -> memref<256x128xf32, #tpu.memory_space<hbm>>
    tpu.enqueue_dma source(%arg6 : memref<256x128xf32, #tpu.memory_space<vmem>>) target(%dma_start3A_235 : memref<256x128xf32, #tpu.memory_space<hbm>>) target_semaphore(%dma_start3A_233 : memref<!tpu.dma_semaphore, #tpu.memory_space<semaphore_mem>>)
    %dma_wait3A_236 = arith.constant 0 : i32
    %dma_wait3A_237 = arith.constant 0 : i32
    %dma_wait3A_238 = tpu.memref_slice %arg5[%add3A_228, %dma_wait3A_237] : memref<131072x128xf32, #tpu.memory_space<hbm>> -> memref<256x128xf32, #tpu.memory_space<hbm>>
    %dma_wait3A_239 = tpu.memref_slice %arg12[%dma_wait3A_236] : memref<3x!tpu.dma_semaphore, #tpu.memory_space<semaphore_mem>> -> memref<1x!tpu.dma_semaphore, #tpu.memory_space<semaphore_mem>>
    %dma_wait3A_240 = tpu.memref_squeeze %dma_wait3A_239 : memref<1x!tpu.dma_semaphore, #tpu.memory_space<semaphore_mem>> -> memref<!tpu.dma_semaphore, #tpu.memory_space<semaphore_mem>>
    %dma_wait3A_241 = arith.constant 0 : i32
    %dma_wait3A_242 = tpu.memref_slice %arg5[%add3A_228, %dma_wait3A_241] : memref<131072x128xf32, #tpu.memory_space<hbm>> -> memref<256x128xf32, #tpu.memory_space<hbm>>
    tpu.wait_dma2 semaphore(%dma_wait3A_240 : memref<!tpu.dma_semaphore, #tpu.memory_space<semaphore_mem>>) src(%arg6 : memref<256x128xf32, #tpu.memory_space<vmem>>) dst(%dma_wait3A_242 : memref<256x128xf32, #tpu.memory_space<hbm>>)
    %add3A_243 = arith.constant 2304 : i32
    %add3A_244 = arith.addi %mul3A_2, %add3A_243 : i32
    %dma_start3A_245 = arith.constant 0 : i32
    %dma_start3A_246 = arith.constant 0 : i32
    %dma_start3A_247 = tpu.memref_slice %arg2[%add3A_244, %dma_start3A_246] : memref<131072x128xf32, #tpu.memory_space<hbm>> -> memref<256x128xf32, #tpu.memory_space<hbm>>
    %dma_start3A_248 = tpu.memref_slice %arg11[%dma_start3A_245] : memref<3x!tpu.dma_semaphore, #tpu.memory_space<semaphore_mem>> -> memref<1x!tpu.dma_semaphore, #tpu.memory_space<semaphore_mem>>
    %dma_start3A_249 = tpu.memref_squeeze %dma_start3A_248 : memref<1x!tpu.dma_semaphore, #tpu.memory_space<semaphore_mem>> -> memref<!tpu.dma_semaphore, #tpu.memory_space<semaphore_mem>>
    %dma_start3A_250 = arith.constant 0 : i32
    %dma_start3A_251 = tpu.memref_slice %arg2[%add3A_244, %dma_start3A_250] : memref<131072x128xf32, #tpu.memory_space<hbm>> -> memref<256x128xf32, #tpu.memory_space<hbm>>
    tpu.enqueue_dma source(%dma_start3A_251 : memref<256x128xf32, #tpu.memory_space<hbm>>) target(%arg6 : memref<256x128xf32, #tpu.memory_space<vmem>>) target_semaphore(%dma_start3A_249 : memref<!tpu.dma_semaphore, #tpu.memory_space<semaphore_mem>>)
    %dma_wait3A_252 = arith.constant 1 : i32
    %dma_wait3A_253 = arith.constant 0 : i32
    %dma_wait3A_254 = tpu.memref_slice %arg2[%add3A_180, %dma_wait3A_253] : memref<131072x128xf32, #tpu.memory_space<hbm>> -> memref<256x128xf32, #tpu.memory_space<hbm>>
    %dma_wait3A_255 = tpu.memref_slice %arg11[%dma_wait3A_252] : memref<3x!tpu.dma_semaphore, #tpu.memory_space<semaphore_mem>> -> memref<1x!tpu.dma_semaphore, #tpu.memory_space<semaphore_mem>>
    %dma_wait3A_256 = tpu.memref_squeeze %dma_wait3A_255 : memref<1x!tpu.dma_semaphore, #tpu.memory_space<semaphore_mem>> -> memref<!tpu.dma_semaphore, #tpu.memory_space<semaphore_mem>>
    %dma_wait3A_257 = arith.constant 0 : i32
    %dma_wait3A_258 = tpu.memref_slice %arg2[%add3A_180, %dma_wait3A_257] : memref<131072x128xf32, #tpu.memory_space<hbm>> -> memref<256x128xf32, #tpu.memory_space<hbm>>
    tpu.wait_dma2 semaphore(%dma_wait3A_256 : memref<!tpu.dma_semaphore, #tpu.memory_space<semaphore_mem>>) src(%dma_wait3A_258 : memref<256x128xf32, #tpu.memory_space<hbm>>) dst(%arg7 : memref<256x128xf32, #tpu.memory_space<vmem>>)
    %add3A_259 = arith.constant 1792 : i32
    %add3A_260 = arith.addi %mul3A_2, %add3A_259 : i32
    %dma_start3A_261 = arith.constant 1 : i32
    %dma_start3A_262 = arith.constant 0 : i32
    %dma_start3A_263 = tpu.memref_slice %arg5[%add3A_260, %dma_start3A_262] : memref<131072x128xf32, #tpu.memory_space<hbm>> -> memref<256x128xf32, #tpu.memory_space<hbm>>
    %dma_start3A_264 = tpu.memref_slice %arg12[%dma_start3A_261] : memref<3x!tpu.dma_semaphore, #tpu.memory_space<semaphore_mem>> -> memref<1x!tpu.dma_semaphore, #tpu.memory_space<semaphore_mem>>
    %dma_start3A_265 = tpu.memref_squeeze %dma_start3A_264 : memref<1x!tpu.dma_semaphore, #tpu.memory_space<semaphore_mem>> -> memref<!tpu.dma_semaphore, #tpu.memory_space<semaphore_mem>>
    %dma_start3A_266 = arith.constant 0 : i32
    %dma_start3A_267 = tpu.memref_slice %arg5[%add3A_260, %dma_start3A_266] : memref<131072x128xf32, #tpu.memory_space<hbm>> -> memref<256x128xf32, #tpu.memory_space<hbm>>
    tpu.enqueue_dma source(%arg7 : memref<256x128xf32, #tpu.memory_space<vmem>>) target(%dma_start3A_267 : memref<256x128xf32, #tpu.memory_space<hbm>>) target_semaphore(%dma_start3A_265 : memref<!tpu.dma_semaphore, #tpu.memory_space<semaphore_mem>>)
    %dma_wait3A_268 = arith.constant 1 : i32
    %dma_wait3A_269 = arith.constant 0 : i32
    %dma_wait3A_270 = tpu.memref_slice %arg5[%add3A_260, %dma_wait3A_269] : memref<131072x128xf32, #tpu.memory_space<hbm>> -> memref<256x128xf32, #tpu.memory_space<hbm>>
    %dma_wait3A_271 = tpu.memref_slice %arg12[%dma_wait3A_268] : memref<3x!tpu.dma_semaphore, #tpu.memory_space<semaphore_mem>> -> memref<1x!tpu.dma_semaphore, #tpu.memory_space<semaphore_mem>>
    %dma_wait3A_272 = tpu.memref_squeeze %dma_wait3A_271 : memref<1x!tpu.dma_semaphore, #tpu.memory_space<semaphore_mem>> -> memref<!tpu.dma_semaphore, #tpu.memory_space<semaphore_mem>>
    %dma_wait3A_273 = arith.constant 0 : i32
    %dma_wait3A_274 = tpu.memref_slice %arg5[%add3A_260, %dma_wait3A_273] : memref<131072x128xf32, #tpu.memory_space<hbm>> -> memref<256x128xf32, #tpu.memory_space<hbm>>
    tpu.wait_dma2 semaphore(%dma_wait3A_272 : memref<!tpu.dma_semaphore, #tpu.memory_space<semaphore_mem>>) src(%arg7 : memref<256x128xf32, #tpu.memory_space<vmem>>) dst(%dma_wait3A_274 : memref<256x128xf32, #tpu.memory_space<hbm>>)
    %add3A_275 = arith.constant 2560 : i32
    %add3A_276 = arith.addi %mul3A_2, %add3A_275 : i32
    %dma_start3A_277 = arith.constant 1 : i32
    %dma_start3A_278 = arith.constant 0 : i32
    %dma_start3A_279 = tpu.memref_slice %arg2[%add3A_276, %dma_start3A_278] : memref<131072x128xf32, #tpu.memory_space<hbm>> -> memref<256x128xf32, #tpu.memory_space<hbm>>
    %dma_start3A_280 = tpu.memref_slice %arg11[%dma_start3A_277] : memref<3x!tpu.dma_semaphore, #tpu.memory_space<semaphore_mem>> -> memref<1x!tpu.dma_semaphore, #tpu.memory_space<semaphore_mem>>
    %dma_start3A_281 = tpu.memref_squeeze %dma_start3A_280 : memref<1x!tpu.dma_semaphore, #tpu.memory_space<semaphore_mem>> -> memref<!tpu.dma_semaphore, #tpu.memory_space<semaphore_mem>>
    %dma_start3A_282 = arith.constant 0 : i32
    %dma_start3A_283 = tpu.memref_slice %arg2[%add3A_276, %dma_start3A_282] : memref<131072x128xf32, #tpu.memory_space<hbm>> -> memref<256x128xf32, #tpu.memory_space<hbm>>
    tpu.enqueue_dma source(%dma_start3A_283 : memref<256x128xf32, #tpu.memory_space<hbm>>) target(%arg7 : memref<256x128xf32, #tpu.memory_space<vmem>>) target_semaphore(%dma_start3A_281 : memref<!tpu.dma_semaphore, #tpu.memory_space<semaphore_mem>>)
    %dma_wait3A_284 = arith.constant 2 : i32
    %dma_wait3A_285 = arith.constant 0 : i32
    %dma_wait3A_286 = tpu.memref_slice %arg2[%add3A_212, %dma_wait3A_285] : memref<131072x128xf32, #tpu.memory_space<hbm>> -> memref<256x128xf32, #tpu.memory_space<hbm>>
    %dma_wait3A_287 = tpu.memref_slice %arg11[%dma_wait3A_284] : memref<3x!tpu.dma_semaphore, #tpu.memory_space<semaphore_mem>> -> memref<1x!tpu.dma_semaphore, #tpu.memory_space<semaphore_mem>>
    %dma_wait3A_288 = tpu.memref_squeeze %dma_wait3A_287 : memref<1x!tpu.dma_semaphore, #tpu.memory_space<semaphore_mem>> -> memref<!tpu.dma_semaphore, #tpu.memory_space<semaphore_mem>>
    %dma_wait3A_289 = arith.constant 0 : i32
    %dma_wait3A_290 = tpu.memref_slice %arg2[%add3A_212, %dma_wait3A_289] : memref<131072x128xf32, #tpu.memory_space<hbm>> -> memref<256x128xf32, #tpu.memory_space<hbm>>
    tpu.wait_dma2 semaphore(%dma_wait3A_288 : memref<!tpu.dma_semaphore, #tpu.memory_space<semaphore_mem>>) src(%dma_wait3A_290 : memref<256x128xf32, #tpu.memory_space<hbm>>) dst(%arg8 : memref<256x128xf32, #tpu.memory_space<vmem>>)
    %add3A_291 = arith.constant 2048 : i32
    %add3A_292 = arith.addi %mul3A_2, %add3A_291 : i32
    %dma_start3A_293 = arith.constant 2 : i32
    %dma_start3A_294 = arith.constant 0 : i32
    %dma_start3A_295 = tpu.memref_slice %arg5[%add3A_292, %dma_start3A_294] : memref<131072x128xf32, #tpu.memory_space<hbm>> -> memref<256x128xf32, #tpu.memory_space<hbm>>
    %dma_start3A_296 = tpu.memref_slice %arg12[%dma_start3A_293] : memref<3x!tpu.dma_semaphore, #tpu.memory_space<semaphore_mem>> -> memref<1x!tpu.dma_semaphore, #tpu.memory_space<semaphore_mem>>
    %dma_start3A_297 = tpu.memref_squeeze %dma_start3A_296 : memref<1x!tpu.dma_semaphore, #tpu.memory_space<semaphore_mem>> -> memref<!tpu.dma_semaphore, #tpu.memory_space<semaphore_mem>>
    %dma_start3A_298 = arith.constant 0 : i32
    %dma_start3A_299 = tpu.memref_slice %arg5[%add3A_292, %dma_start3A_298] : memref<131072x128xf32, #tpu.memory_space<hbm>> -> memref<256x128xf32, #tpu.memory_space<hbm>>
    tpu.enqueue_dma source(%arg8 : memref<256x128xf32, #tpu.memory_space<vmem>>) target(%dma_start3A_299 : memref<256x128xf32, #tpu.memory_space<hbm>>) target_semaphore(%dma_start3A_297 : memref<!tpu.dma_semaphore, #tpu.memory_space<semaphore_mem>>)
    %dma_wait3A_300 = arith.constant 2 : i32
    %dma_wait3A_301 = arith.constant 0 : i32
    %dma_wait3A_302 = tpu.memref_slice %arg5[%add3A_292, %dma_wait3A_301] : memref<131072x128xf32, #tpu.memory_space<hbm>> -> memref<256x128xf32, #tpu.memory_space<hbm>>
    %dma_wait3A_303 = tpu.memref_slice %arg12[%dma_wait3A_300] : memref<3x!tpu.dma_semaphore, #tpu.memory_space<semaphore_mem>> -> memref<1x!tpu.dma_semaphore, #tpu.memory_space<semaphore_mem>>
    %dma_wait3A_304 = tpu.memref_squeeze %dma_wait3A_303 : memref<1x!tpu.dma_semaphore, #tpu.memory_space<semaphore_mem>> -> memref<!tpu.dma_semaphore, #tpu.memory_space<semaphore_mem>>
    %dma_wait3A_305 = arith.constant 0 : i32
    %dma_wait3A_306 = tpu.memref_slice %arg5[%add3A_292, %dma_wait3A_305] : memref<131072x128xf32, #tpu.memory_space<hbm>> -> memref<256x128xf32, #tpu.memory_space<hbm>>
    tpu.wait_dma2 semaphore(%dma_wait3A_304 : memref<!tpu.dma_semaphore, #tpu.memory_space<semaphore_mem>>) src(%arg8 : memref<256x128xf32, #tpu.memory_space<vmem>>) dst(%dma_wait3A_306 : memref<256x128xf32, #tpu.memory_space<hbm>>)
    %add3A_307 = arith.constant 2816 : i32
    %add3A_308 = arith.addi %mul3A_2, %add3A_307 : i32
    %dma_start3A_309 = arith.constant 2 : i32
    %dma_start3A_310 = arith.constant 0 : i32
    %dma_start3A_311 = tpu.memref_slice %arg2[%add3A_308, %dma_start3A_310] : memref<131072x128xf32, #tpu.memory_space<hbm>> -> memref<256x128xf32, #tpu.memory_space<hbm>>
    %dma_start3A_312 = tpu.memref_slice %arg11[%dma_start3A_309] : memref<3x!tpu.dma_semaphore, #tpu.memory_space<semaphore_mem>> -> memref<1x!tpu.dma_semaphore, #tpu.memory_space<semaphore_mem>>
    %dma_start3A_313 = tpu.memref_squeeze %dma_start3A_312 : memref<1x!tpu.dma_semaphore, #tpu.memory_space<semaphore_mem>> -> memref<!tpu.dma_semaphore, #tpu.memory_space<semaphore_mem>>
    %dma_start3A_314 = arith.constant 0 : i32
    %dma_start3A_315 = tpu.memref_slice %arg2[%add3A_308, %dma_start3A_314] : memref<131072x128xf32, #tpu.memory_space<hbm>> -> memref<256x128xf32, #tpu.memory_space<hbm>>
    tpu.enqueue_dma source(%dma_start3A_315 : memref<256x128xf32, #tpu.memory_space<hbm>>) target(%arg8 : memref<256x128xf32, #tpu.memory_space<vmem>>) target_semaphore(%dma_start3A_313 : memref<!tpu.dma_semaphore, #tpu.memory_space<semaphore_mem>>)
    %dma_wait3A_316 = arith.constant 0 : i32
    %dma_wait3A_317 = arith.constant 0 : i32
    %dma_wait3A_318 = tpu.memref_slice %arg2[%add3A_244, %dma_wait3A_317] : memref<131072x128xf32, #tpu.memory_space<hbm>> -> memref<256x128xf32, #tpu.memory_space<hbm>>
    %dma_wait3A_319 = tpu.memref_slice %arg11[%dma_wait3A_316] : memref<3x!tpu.dma_semaphore, #tpu.memory_space<semaphore_mem>> -> memref<1x!tpu.dma_semaphore, #tpu.memory_space<semaphore_mem>>
    %dma_wait3A_320 = tpu.memref_squeeze %dma_wait3A_319 : memref<1x!tpu.dma_semaphore, #tpu.memory_space<semaphore_mem>> -> memref<!tpu.dma_semaphore, #tpu.memory_space<semaphore_mem>>
    %dma_wait3A_321 = arith.constant 0 : i32
    %dma_wait3A_322 = tpu.memref_slice %arg2[%add3A_244, %dma_wait3A_321] : memref<131072x128xf32, #tpu.memory_space<hbm>> -> memref<256x128xf32, #tpu.memory_space<hbm>>
    tpu.wait_dma2 semaphore(%dma_wait3A_320 : memref<!tpu.dma_semaphore, #tpu.memory_space<semaphore_mem>>) src(%dma_wait3A_322 : memref<256x128xf32, #tpu.memory_space<hbm>>) dst(%arg6 : memref<256x128xf32, #tpu.memory_space<vmem>>)
    %add3A_323 = arith.constant 2304 : i32
    %add3A_324 = arith.addi %mul3A_2, %add3A_323 : i32
    %dma_start3A_325 = arith.constant 0 : i32
    %dma_start3A_326 = arith.constant 0 : i32
    %dma_start3A_327 = tpu.memref_slice %arg5[%add3A_324, %dma_start3A_326] : memref<131072x128xf32, #tpu.memory_space<hbm>> -> memref<256x128xf32, #tpu.memory_space<hbm>>
    %dma_start3A_328 = tpu.memref_slice %arg12[%dma_start3A_325] : memref<3x!tpu.dma_semaphore, #tpu.memory_space<semaphore_mem>> -> memref<1x!tpu.dma_semaphore, #tpu.memory_space<semaphore_mem>>
    %dma_start3A_329 = tpu.memref_squeeze %dma_start3A_328 : memref<1x!tpu.dma_semaphore, #tpu.memory_space<semaphore_mem>> -> memref<!tpu.dma_semaphore, #tpu.memory_space<semaphore_mem>>
    %dma_start3A_330 = arith.constant 0 : i32
    %dma_start3A_331 = tpu.memref_slice %arg5[%add3A_324, %dma_start3A_330] : memref<131072x128xf32, #tpu.memory_space<hbm>> -> memref<256x128xf32, #tpu.memory_space<hbm>>
    tpu.enqueue_dma source(%arg6 : memref<256x128xf32, #tpu.memory_space<vmem>>) target(%dma_start3A_331 : memref<256x128xf32, #tpu.memory_space<hbm>>) target_semaphore(%dma_start3A_329 : memref<!tpu.dma_semaphore, #tpu.memory_space<semaphore_mem>>)
    %dma_wait3A_332 = arith.constant 0 : i32
    %dma_wait3A_333 = arith.constant 0 : i32
    %dma_wait3A_334 = tpu.memref_slice %arg5[%add3A_324, %dma_wait3A_333] : memref<131072x128xf32, #tpu.memory_space<hbm>> -> memref<256x128xf32, #tpu.memory_space<hbm>>
    %dma_wait3A_335 = tpu.memref_slice %arg12[%dma_wait3A_332] : memref<3x!tpu.dma_semaphore, #tpu.memory_space<semaphore_mem>> -> memref<1x!tpu.dma_semaphore, #tpu.memory_space<semaphore_mem>>
    %dma_wait3A_336 = tpu.memref_squeeze %dma_wait3A_335 : memref<1x!tpu.dma_semaphore, #tpu.memory_space<semaphore_mem>> -> memref<!tpu.dma_semaphore, #tpu.memory_space<semaphore_mem>>
    %dma_wait3A_337 = arith.constant 0 : i32
    %dma_wait3A_338 = tpu.memref_slice %arg5[%add3A_324, %dma_wait3A_337] : memref<131072x128xf32, #tpu.memory_space<hbm>> -> memref<256x128xf32, #tpu.memory_space<hbm>>
    tpu.wait_dma2 semaphore(%dma_wait3A_336 : memref<!tpu.dma_semaphore, #tpu.memory_space<semaphore_mem>>) src(%arg6 : memref<256x128xf32, #tpu.memory_space<vmem>>) dst(%dma_wait3A_338 : memref<256x128xf32, #tpu.memory_space<hbm>>)
    %add3A_339 = arith.constant 3072 : i32
    %add3A_340 = arith.addi %mul3A_2, %add3A_339 : i32
    %dma_start3A_341 = arith.constant 0 : i32
    %dma_start3A_342 = arith.constant 0 : i32
    %dma_start3A_343 = tpu.memref_slice %arg2[%add3A_340, %dma_start3A_342] : memref<131072x128xf32, #tpu.memory_space<hbm>> -> memref<256x128xf32, #tpu.memory_space<hbm>>
    %dma_start3A_344 = tpu.memref_slice %arg11[%dma_start3A_341] : memref<3x!tpu.dma_semaphore, #tpu.memory_space<semaphore_mem>> -> memref<1x!tpu.dma_semaphore, #tpu.memory_space<semaphore_mem>>
    %dma_start3A_345 = tpu.memref_squeeze %dma_start3A_344 : memref<1x!tpu.dma_semaphore, #tpu.memory_space<semaphore_mem>> -> memref<!tpu.dma_semaphore, #tpu.memory_space<semaphore_mem>>
    %dma_start3A_346 = arith.constant 0 : i32
    %dma_start3A_347 = tpu.memref_slice %arg2[%add3A_340, %dma_start3A_346] : memref<131072x128xf32, #tpu.memory_space<hbm>> -> memref<256x128xf32, #tpu.memory_space<hbm>>
    tpu.enqueue_dma source(%dma_start3A_347 : memref<256x128xf32, #tpu.memory_space<hbm>>) target(%arg6 : memref<256x128xf32, #tpu.memory_space<vmem>>) target_semaphore(%dma_start3A_345 : memref<!tpu.dma_semaphore, #tpu.memory_space<semaphore_mem>>)
    %dma_wait3A_348 = arith.constant 1 : i32
    %dma_wait3A_349 = arith.constant 0 : i32
    %dma_wait3A_350 = tpu.memref_slice %arg2[%add3A_276, %dma_wait3A_349] : memref<131072x128xf32, #tpu.memory_space<hbm>> -> memref<256x128xf32, #tpu.memory_space<hbm>>
    %dma_wait3A_351 = tpu.memref_slice %arg11[%dma_wait3A_348] : memref<3x!tpu.dma_semaphore, #tpu.memory_space<semaphore_mem>> -> memref<1x!tpu.dma_semaphore, #tpu.memory_space<semaphore_mem>>
    %dma_wait3A_352 = tpu.memref_squeeze %dma_wait3A_351 : memref<1x!tpu.dma_semaphore, #tpu.memory_space<semaphore_mem>> -> memref<!tpu.dma_semaphore, #tpu.memory_space<semaphore_mem>>
    %dma_wait3A_353 = arith.constant 0 : i32
    %dma_wait3A_354 = tpu.memref_slice %arg2[%add3A_276, %dma_wait3A_353] : memref<131072x128xf32, #tpu.memory_space<hbm>> -> memref<256x128xf32, #tpu.memory_space<hbm>>
    tpu.wait_dma2 semaphore(%dma_wait3A_352 : memref<!tpu.dma_semaphore, #tpu.memory_space<semaphore_mem>>) src(%dma_wait3A_354 : memref<256x128xf32, #tpu.memory_space<hbm>>) dst(%arg7 : memref<256x128xf32, #tpu.memory_space<vmem>>)
    %add3A_355 = arith.constant 2560 : i32
    %add3A_356 = arith.addi %mul3A_2, %add3A_355 : i32
    %dma_start3A_357 = arith.constant 1 : i32
    %dma_start3A_358 = arith.constant 0 : i32
    %dma_start3A_359 = tpu.memref_slice %arg5[%add3A_356, %dma_start3A_358] : memref<131072x128xf32, #tpu.memory_space<hbm>> -> memref<256x128xf32, #tpu.memory_space<hbm>>
    %dma_start3A_360 = tpu.memref_slice %arg12[%dma_start3A_357] : memref<3x!tpu.dma_semaphore, #tpu.memory_space<semaphore_mem>> -> memref<1x!tpu.dma_semaphore, #tpu.memory_space<semaphore_mem>>
    %dma_start3A_361 = tpu.memref_squeeze %dma_start3A_360 : memref<1x!tpu.dma_semaphore, #tpu.memory_space<semaphore_mem>> -> memref<!tpu.dma_semaphore, #tpu.memory_space<semaphore_mem>>
    %dma_start3A_362 = arith.constant 0 : i32
    %dma_start3A_363 = tpu.memref_slice %arg5[%add3A_356, %dma_start3A_362] : memref<131072x128xf32, #tpu.memory_space<hbm>> -> memref<256x128xf32, #tpu.memory_space<hbm>>
    tpu.enqueue_dma source(%arg7 : memref<256x128xf32, #tpu.memory_space<vmem>>) target(%dma_start3A_363 : memref<256x128xf32, #tpu.memory_space<hbm>>) target_semaphore(%dma_start3A_361 : memref<!tpu.dma_semaphore, #tpu.memory_space<semaphore_mem>>)
    %dma_wait3A_364 = arith.constant 1 : i32
    %dma_wait3A_365 = arith.constant 0 : i32
    %dma_wait3A_366 = tpu.memref_slice %arg5[%add3A_356, %dma_wait3A_365] : memref<131072x128xf32, #tpu.memory_space<hbm>> -> memref<256x128xf32, #tpu.memory_space<hbm>>
    %dma_wait3A_367 = tpu.memref_slice %arg12[%dma_wait3A_364] : memref<3x!tpu.dma_semaphore, #tpu.memory_space<semaphore_mem>> -> memref<1x!tpu.dma_semaphore, #tpu.memory_space<semaphore_mem>>
    %dma_wait3A_368 = tpu.memref_squeeze %dma_wait3A_367 : memref<1x!tpu.dma_semaphore, #tpu.memory_space<semaphore_mem>> -> memref<!tpu.dma_semaphore, #tpu.memory_space<semaphore_mem>>
    %dma_wait3A_369 = arith.constant 0 : i32
    %dma_wait3A_370 = tpu.memref_slice %arg5[%add3A_356, %dma_wait3A_369] : memref<131072x128xf32, #tpu.memory_space<hbm>> -> memref<256x128xf32, #tpu.memory_space<hbm>>
    tpu.wait_dma2 semaphore(%dma_wait3A_368 : memref<!tpu.dma_semaphore, #tpu.memory_space<semaphore_mem>>) src(%arg7 : memref<256x128xf32, #tpu.memory_space<vmem>>) dst(%dma_wait3A_370 : memref<256x128xf32, #tpu.memory_space<hbm>>)
    %add3A_371 = arith.constant 3328 : i32
    %add3A_372 = arith.addi %mul3A_2, %add3A_371 : i32
    %dma_start3A_373 = arith.constant 1 : i32
    %dma_start3A_374 = arith.constant 0 : i32
    %dma_start3A_375 = tpu.memref_slice %arg2[%add3A_372, %dma_start3A_374] : memref<131072x128xf32, #tpu.memory_space<hbm>> -> memref<256x128xf32, #tpu.memory_space<hbm>>
    %dma_start3A_376 = tpu.memref_slice %arg11[%dma_start3A_373] : memref<3x!tpu.dma_semaphore, #tpu.memory_space<semaphore_mem>> -> memref<1x!tpu.dma_semaphore, #tpu.memory_space<semaphore_mem>>
    %dma_start3A_377 = tpu.memref_squeeze %dma_start3A_376 : memref<1x!tpu.dma_semaphore, #tpu.memory_space<semaphore_mem>> -> memref<!tpu.dma_semaphore, #tpu.memory_space<semaphore_mem>>
    %dma_start3A_378 = arith.constant 0 : i32
    %dma_start3A_379 = tpu.memref_slice %arg2[%add3A_372, %dma_start3A_378] : memref<131072x128xf32, #tpu.memory_space<hbm>> -> memref<256x128xf32, #tpu.memory_space<hbm>>
    tpu.enqueue_dma source(%dma_start3A_379 : memref<256x128xf32, #tpu.memory_space<hbm>>) target(%arg7 : memref<256x128xf32, #tpu.memory_space<vmem>>) target_semaphore(%dma_start3A_377 : memref<!tpu.dma_semaphore, #tpu.memory_space<semaphore_mem>>)
    %dma_wait3A_380 = arith.constant 2 : i32
    %dma_wait3A_381 = arith.constant 0 : i32
    %dma_wait3A_382 = tpu.memref_slice %arg2[%add3A_308, %dma_wait3A_381] : memref<131072x128xf32, #tpu.memory_space<hbm>> -> memref<256x128xf32, #tpu.memory_space<hbm>>
    %dma_wait3A_383 = tpu.memref_slice %arg11[%dma_wait3A_380] : memref<3x!tpu.dma_semaphore, #tpu.memory_space<semaphore_mem>> -> memref<1x!tpu.dma_semaphore, #tpu.memory_space<semaphore_mem>>
    %dma_wait3A_384 = tpu.memref_squeeze %dma_wait3A_383 : memref<1x!tpu.dma_semaphore, #tpu.memory_space<semaphore_mem>> -> memref<!tpu.dma_semaphore, #tpu.memory_space<semaphore_mem>>
    %dma_wait3A_385 = arith.constant 0 : i32
    %dma_wait3A_386 = tpu.memref_slice %arg2[%add3A_308, %dma_wait3A_385] : memref<131072x128xf32, #tpu.memory_space<hbm>> -> memref<256x128xf32, #tpu.memory_space<hbm>>
    tpu.wait_dma2 semaphore(%dma_wait3A_384 : memref<!tpu.dma_semaphore, #tpu.memory_space<semaphore_mem>>) src(%dma_wait3A_386 : memref<256x128xf32, #tpu.memory_space<hbm>>) dst(%arg8 : memref<256x128xf32, #tpu.memory_space<vmem>>)
    %add3A_387 = arith.constant 2816 : i32
    %add3A_388 = arith.addi %mul3A_2, %add3A_387 : i32
    %dma_start3A_389 = arith.constant 2 : i32
    %dma_start3A_390 = arith.constant 0 : i32
    %dma_start3A_391 = tpu.memref_slice %arg5[%add3A_388, %dma_start3A_390] : memref<131072x128xf32, #tpu.memory_space<hbm>> -> memref<256x128xf32, #tpu.memory_space<hbm>>
    %dma_start3A_392 = tpu.memref_slice %arg12[%dma_start3A_389] : memref<3x!tpu.dma_semaphore, #tpu.memory_space<semaphore_mem>> -> memref<1x!tpu.dma_semaphore, #tpu.memory_space<semaphore_mem>>
    %dma_start3A_393 = tpu.memref_squeeze %dma_start3A_392 : memref<1x!tpu.dma_semaphore, #tpu.memory_space<semaphore_mem>> -> memref<!tpu.dma_semaphore, #tpu.memory_space<semaphore_mem>>
    %dma_start3A_394 = arith.constant 0 : i32
    %dma_start3A_395 = tpu.memref_slice %arg5[%add3A_388, %dma_start3A_394] : memref<131072x128xf32, #tpu.memory_space<hbm>> -> memref<256x128xf32, #tpu.memory_space<hbm>>
    tpu.enqueue_dma source(%arg8 : memref<256x128xf32, #tpu.memory_space<vmem>>) target(%dma_start3A_395 : memref<256x128xf32, #tpu.memory_space<hbm>>) target_semaphore(%dma_start3A_393 : memref<!tpu.dma_semaphore, #tpu.memory_space<semaphore_mem>>)
    %dma_wait3A_396 = arith.constant 2 : i32
    %dma_wait3A_397 = arith.constant 0 : i32
    %dma_wait3A_398 = tpu.memref_slice %arg5[%add3A_388, %dma_wait3A_397] : memref<131072x128xf32, #tpu.memory_space<hbm>> -> memref<256x128xf32, #tpu.memory_space<hbm>>
    %dma_wait3A_399 = tpu.memref_slice %arg12[%dma_wait3A_396] : memref<3x!tpu.dma_semaphore, #tpu.memory_space<semaphore_mem>> -> memref<1x!tpu.dma_semaphore, #tpu.memory_space<semaphore_mem>>
    %dma_wait3A_400 = tpu.memref_squeeze %dma_wait3A_399 : memref<1x!tpu.dma_semaphore, #tpu.memory_space<semaphore_mem>> -> memref<!tpu.dma_semaphore, #tpu.memory_space<semaphore_mem>>
    %dma_wait3A_401 = arith.constant 0 : i32
    %dma_wait3A_402 = tpu.memref_slice %arg5[%add3A_388, %dma_wait3A_401] : memref<131072x128xf32, #tpu.memory_space<hbm>> -> memref<256x128xf32, #tpu.memory_space<hbm>>
    tpu.wait_dma2 semaphore(%dma_wait3A_400 : memref<!tpu.dma_semaphore, #tpu.memory_space<semaphore_mem>>) src(%arg8 : memref<256x128xf32, #tpu.memory_space<vmem>>) dst(%dma_wait3A_402 : memref<256x128xf32, #tpu.memory_space<hbm>>)
    %add3A_403 = arith.constant 3584 : i32
    %add3A_404 = arith.addi %mul3A_2, %add3A_403 : i32
    %dma_start3A_405 = arith.constant 2 : i32
    %dma_start3A_406 = arith.constant 0 : i32
    %dma_start3A_407 = tpu.memref_slice %arg2[%add3A_404, %dma_start3A_406] : memref<131072x128xf32, #tpu.memory_space<hbm>> -> memref<256x128xf32, #tpu.memory_space<hbm>>
    %dma_start3A_408 = tpu.memref_slice %arg11[%dma_start3A_405] : memref<3x!tpu.dma_semaphore, #tpu.memory_space<semaphore_mem>> -> memref<1x!tpu.dma_semaphore, #tpu.memory_space<semaphore_mem>>
    %dma_start3A_409 = tpu.memref_squeeze %dma_start3A_408 : memref<1x!tpu.dma_semaphore, #tpu.memory_space<semaphore_mem>> -> memref<!tpu.dma_semaphore, #tpu.memory_space<semaphore_mem>>
    %dma_start3A_410 = arith.constant 0 : i32
    %dma_start3A_411 = tpu.memref_slice %arg2[%add3A_404, %dma_start3A_410] : memref<131072x128xf32, #tpu.memory_space<hbm>> -> memref<256x128xf32, #tpu.memory_space<hbm>>
    tpu.enqueue_dma source(%dma_start3A_411 : memref<256x128xf32, #tpu.memory_space<hbm>>) target(%arg8 : memref<256x128xf32, #tpu.memory_space<vmem>>) target_semaphore(%dma_start3A_409 : memref<!tpu.dma_semaphore, #tpu.memory_space<semaphore_mem>>)
    %dma_wait3A_412 = arith.constant 0 : i32
    %dma_wait3A_413 = arith.constant 0 : i32
    %dma_wait3A_414 = tpu.memref_slice %arg2[%add3A_340, %dma_wait3A_413] : memref<131072x128xf32, #tpu.memory_space<hbm>> -> memref<256x128xf32, #tpu.memory_space<hbm>>
    %dma_wait3A_415 = tpu.memref_slice %arg11[%dma_wait3A_412] : memref<3x!tpu.dma_semaphore, #tpu.memory_space<semaphore_mem>> -> memref<1x!tpu.dma_semaphore, #tpu.memory_space<semaphore_mem>>
    %dma_wait3A_416 = tpu.memref_squeeze %dma_wait3A_415 : memref<1x!tpu.dma_semaphore, #tpu.memory_space<semaphore_mem>> -> memref<!tpu.dma_semaphore, #tpu.memory_space<semaphore_mem>>
    %dma_wait3A_417 = arith.constant 0 : i32
    %dma_wait3A_418 = tpu.memref_slice %arg2[%add3A_340, %dma_wait3A_417] : memref<131072x128xf32, #tpu.memory_space<hbm>> -> memref<256x128xf32, #tpu.memory_space<hbm>>
    tpu.wait_dma2 semaphore(%dma_wait3A_416 : memref<!tpu.dma_semaphore, #tpu.memory_space<semaphore_mem>>) src(%dma_wait3A_418 : memref<256x128xf32, #tpu.memory_space<hbm>>) dst(%arg6 : memref<256x128xf32, #tpu.memory_space<vmem>>)
    %add3A_419 = arith.constant 3072 : i32
    %add3A_420 = arith.addi %mul3A_2, %add3A_419 : i32
    %dma_start3A_421 = arith.constant 0 : i32
    %dma_start3A_422 = arith.constant 0 : i32
    %dma_start3A_423 = tpu.memref_slice %arg5[%add3A_420, %dma_start3A_422] : memref<131072x128xf32, #tpu.memory_space<hbm>> -> memref<256x128xf32, #tpu.memory_space<hbm>>
    %dma_start3A_424 = tpu.memref_slice %arg12[%dma_start3A_421] : memref<3x!tpu.dma_semaphore, #tpu.memory_space<semaphore_mem>> -> memref<1x!tpu.dma_semaphore, #tpu.memory_space<semaphore_mem>>
    %dma_start3A_425 = tpu.memref_squeeze %dma_start3A_424 : memref<1x!tpu.dma_semaphore, #tpu.memory_space<semaphore_mem>> -> memref<!tpu.dma_semaphore, #tpu.memory_space<semaphore_mem>>
    %dma_start3A_426 = arith.constant 0 : i32
    %dma_start3A_427 = tpu.memref_slice %arg5[%add3A_420, %dma_start3A_426] : memref<131072x128xf32, #tpu.memory_space<hbm>> -> memref<256x128xf32, #tpu.memory_space<hbm>>
    tpu.enqueue_dma source(%arg6 : memref<256x128xf32, #tpu.memory_space<vmem>>) target(%dma_start3A_427 : memref<256x128xf32, #tpu.memory_space<hbm>>) target_semaphore(%dma_start3A_425 : memref<!tpu.dma_semaphore, #tpu.memory_space<semaphore_mem>>)
    %dma_wait3A_428 = arith.constant 0 : i32
    %dma_wait3A_429 = arith.constant 0 : i32
    %dma_wait3A_430 = tpu.memref_slice %arg5[%add3A_420, %dma_wait3A_429] : memref<131072x128xf32, #tpu.memory_space<hbm>> -> memref<256x128xf32, #tpu.memory_space<hbm>>
    %dma_wait3A_431 = tpu.memref_slice %arg12[%dma_wait3A_428] : memref<3x!tpu.dma_semaphore, #tpu.memory_space<semaphore_mem>> -> memref<1x!tpu.dma_semaphore, #tpu.memory_space<semaphore_mem>>
    %dma_wait3A_432 = tpu.memref_squeeze %dma_wait3A_431 : memref<1x!tpu.dma_semaphore, #tpu.memory_space<semaphore_mem>> -> memref<!tpu.dma_semaphore, #tpu.memory_space<semaphore_mem>>
    %dma_wait3A_433 = arith.constant 0 : i32
    %dma_wait3A_434 = tpu.memref_slice %arg5[%add3A_420, %dma_wait3A_433] : memref<131072x128xf32, #tpu.memory_space<hbm>> -> memref<256x128xf32, #tpu.memory_space<hbm>>
    tpu.wait_dma2 semaphore(%dma_wait3A_432 : memref<!tpu.dma_semaphore, #tpu.memory_space<semaphore_mem>>) src(%arg6 : memref<256x128xf32, #tpu.memory_space<vmem>>) dst(%dma_wait3A_434 : memref<256x128xf32, #tpu.memory_space<hbm>>)
    %add3A_435 = arith.constant 3840 : i32
    %add3A_436 = arith.addi %mul3A_2, %add3A_435 : i32
    %dma_start3A_437 = arith.constant 0 : i32
    %dma_start3A_438 = arith.constant 0 : i32
    %dma_start3A_439 = tpu.memref_slice %arg2[%add3A_436, %dma_start3A_438] : memref<131072x128xf32, #tpu.memory_space<hbm>> -> memref<256x128xf32, #tpu.memory_space<hbm>>
    %dma_start3A_440 = tpu.memref_slice %arg11[%dma_start3A_437] : memref<3x!tpu.dma_semaphore, #tpu.memory_space<semaphore_mem>> -> memref<1x!tpu.dma_semaphore, #tpu.memory_space<semaphore_mem>>
    %dma_start3A_441 = tpu.memref_squeeze %dma_start3A_440 : memref<1x!tpu.dma_semaphore, #tpu.memory_space<semaphore_mem>> -> memref<!tpu.dma_semaphore, #tpu.memory_space<semaphore_mem>>
    %dma_start3A_442 = arith.constant 0 : i32
    %dma_start3A_443 = tpu.memref_slice %arg2[%add3A_436, %dma_start3A_442] : memref<131072x128xf32, #tpu.memory_space<hbm>> -> memref<256x128xf32, #tpu.memory_space<hbm>>
    tpu.enqueue_dma source(%dma_start3A_443 : memref<256x128xf32, #tpu.memory_space<hbm>>) target(%arg6 : memref<256x128xf32, #tpu.memory_space<vmem>>) target_semaphore(%dma_start3A_441 : memref<!tpu.dma_semaphore, #tpu.memory_space<semaphore_mem>>)
    %dma_wait3A_444 = arith.constant 1 : i32
    %dma_wait3A_445 = arith.constant 0 : i32
    %dma_wait3A_446 = tpu.memref_slice %arg2[%add3A_372, %dma_wait3A_445] : memref<131072x128xf32, #tpu.memory_space<hbm>> -> memref<256x128xf32, #tpu.memory_space<hbm>>
    %dma_wait3A_447 = tpu.memref_slice %arg11[%dma_wait3A_444] : memref<3x!tpu.dma_semaphore, #tpu.memory_space<semaphore_mem>> -> memref<1x!tpu.dma_semaphore, #tpu.memory_space<semaphore_mem>>
    %dma_wait3A_448 = tpu.memref_squeeze %dma_wait3A_447 : memref<1x!tpu.dma_semaphore, #tpu.memory_space<semaphore_mem>> -> memref<!tpu.dma_semaphore, #tpu.memory_space<semaphore_mem>>
    %dma_wait3A_449 = arith.constant 0 : i32
    %dma_wait3A_450 = tpu.memref_slice %arg2[%add3A_372, %dma_wait3A_449] : memref<131072x128xf32, #tpu.memory_space<hbm>> -> memref<256x128xf32, #tpu.memory_space<hbm>>
    tpu.wait_dma2 semaphore(%dma_wait3A_448 : memref<!tpu.dma_semaphore, #tpu.memory_space<semaphore_mem>>) src(%dma_wait3A_450 : memref<256x128xf32, #tpu.memory_space<hbm>>) dst(%arg7 : memref<256x128xf32, #tpu.memory_space<vmem>>)
    %add3A_451 = arith.constant 3328 : i32
    %add3A_452 = arith.addi %mul3A_2, %add3A_451 : i32
    %dma_start3A_453 = arith.constant 1 : i32
    %dma_start3A_454 = arith.constant 0 : i32
    %dma_start3A_455 = tpu.memref_slice %arg5[%add3A_452, %dma_start3A_454] : memref<131072x128xf32, #tpu.memory_space<hbm>> -> memref<256x128xf32, #tpu.memory_space<hbm>>
    %dma_start3A_456 = tpu.memref_slice %arg12[%dma_start3A_453] : memref<3x!tpu.dma_semaphore, #tpu.memory_space<semaphore_mem>> -> memref<1x!tpu.dma_semaphore, #tpu.memory_space<semaphore_mem>>
    %dma_start3A_457 = tpu.memref_squeeze %dma_start3A_456 : memref<1x!tpu.dma_semaphore, #tpu.memory_space<semaphore_mem>> -> memref<!tpu.dma_semaphore, #tpu.memory_space<semaphore_mem>>
    %dma_start3A_458 = arith.constant 0 : i32
    %dma_start3A_459 = tpu.memref_slice %arg5[%add3A_452, %dma_start3A_458] : memref<131072x128xf32, #tpu.memory_space<hbm>> -> memref<256x128xf32, #tpu.memory_space<hbm>>
    tpu.enqueue_dma source(%arg7 : memref<256x128xf32, #tpu.memory_space<vmem>>) target(%dma_start3A_459 : memref<256x128xf32, #tpu.memory_space<hbm>>) target_semaphore(%dma_start3A_457 : memref<!tpu.dma_semaphore, #tpu.memory_space<semaphore_mem>>)
    %dma_wait3A_460 = arith.constant 2 : i32
    %dma_wait3A_461 = arith.constant 0 : i32
    %dma_wait3A_462 = tpu.memref_slice %arg2[%add3A_404, %dma_wait3A_461] : memref<131072x128xf32, #tpu.memory_space<hbm>> -> memref<256x128xf32, #tpu.memory_space<hbm>>
    %dma_wait3A_463 = tpu.memref_slice %arg11[%dma_wait3A_460] : memref<3x!tpu.dma_semaphore, #tpu.memory_space<semaphore_mem>> -> memref<1x!tpu.dma_semaphore, #tpu.memory_space<semaphore_mem>>
    %dma_wait3A_464 = tpu.memref_squeeze %dma_wait3A_463 : memref<1x!tpu.dma_semaphore, #tpu.memory_space<semaphore_mem>> -> memref<!tpu.dma_semaphore, #tpu.memory_space<semaphore_mem>>
    %dma_wait3A_465 = arith.constant 0 : i32
    %dma_wait3A_466 = tpu.memref_slice %arg2[%add3A_404, %dma_wait3A_465] : memref<131072x128xf32, #tpu.memory_space<hbm>> -> memref<256x128xf32, #tpu.memory_space<hbm>>
    tpu.wait_dma2 semaphore(%dma_wait3A_464 : memref<!tpu.dma_semaphore, #tpu.memory_space<semaphore_mem>>) src(%dma_wait3A_466 : memref<256x128xf32, #tpu.memory_space<hbm>>) dst(%arg8 : memref<256x128xf32, #tpu.memory_space<vmem>>)
    %add3A_467 = arith.constant 3584 : i32
    %add3A_468 = arith.addi %mul3A_2, %add3A_467 : i32
    %dma_start3A_469 = arith.constant 2 : i32
    %dma_start3A_470 = arith.constant 0 : i32
    %dma_start3A_471 = tpu.memref_slice %arg5[%add3A_468, %dma_start3A_470] : memref<131072x128xf32, #tpu.memory_space<hbm>> -> memref<256x128xf32, #tpu.memory_space<hbm>>
    %dma_start3A_472 = tpu.memref_slice %arg12[%dma_start3A_469] : memref<3x!tpu.dma_semaphore, #tpu.memory_space<semaphore_mem>> -> memref<1x!tpu.dma_semaphore, #tpu.memory_space<semaphore_mem>>
    %dma_start3A_473 = tpu.memref_squeeze %dma_start3A_472 : memref<1x!tpu.dma_semaphore, #tpu.memory_space<semaphore_mem>> -> memref<!tpu.dma_semaphore, #tpu.memory_space<semaphore_mem>>
    %dma_start3A_474 = arith.constant 0 : i32
    %dma_start3A_475 = tpu.memref_slice %arg5[%add3A_468, %dma_start3A_474] : memref<131072x128xf32, #tpu.memory_space<hbm>> -> memref<256x128xf32, #tpu.memory_space<hbm>>
    tpu.enqueue_dma source(%arg8 : memref<256x128xf32, #tpu.memory_space<vmem>>) target(%dma_start3A_475 : memref<256x128xf32, #tpu.memory_space<hbm>>) target_semaphore(%dma_start3A_473 : memref<!tpu.dma_semaphore, #tpu.memory_space<semaphore_mem>>)
    %dma_wait3A_476 = arith.constant 0 : i32
    %dma_wait3A_477 = arith.constant 0 : i32
    %dma_wait3A_478 = tpu.memref_slice %arg2[%add3A_436, %dma_wait3A_477] : memref<131072x128xf32, #tpu.memory_space<hbm>> -> memref<256x128xf32, #tpu.memory_space<hbm>>
    %dma_wait3A_479 = tpu.memref_slice %arg11[%dma_wait3A_476] : memref<3x!tpu.dma_semaphore, #tpu.memory_space<semaphore_mem>> -> memref<1x!tpu.dma_semaphore, #tpu.memory_space<semaphore_mem>>
    %dma_wait3A_480 = tpu.memref_squeeze %dma_wait3A_479 : memref<1x!tpu.dma_semaphore, #tpu.memory_space<semaphore_mem>> -> memref<!tpu.dma_semaphore, #tpu.memory_space<semaphore_mem>>
    %dma_wait3A_481 = arith.constant 0 : i32
    %dma_wait3A_482 = tpu.memref_slice %arg2[%add3A_436, %dma_wait3A_481] : memref<131072x128xf32, #tpu.memory_space<hbm>> -> memref<256x128xf32, #tpu.memory_space<hbm>>
    tpu.wait_dma2 semaphore(%dma_wait3A_480 : memref<!tpu.dma_semaphore, #tpu.memory_space<semaphore_mem>>) src(%dma_wait3A_482 : memref<256x128xf32, #tpu.memory_space<hbm>>) dst(%arg6 : memref<256x128xf32, #tpu.memory_space<vmem>>)
    %add3A_483 = arith.constant 3840 : i32
    %add3A_484 = arith.addi %mul3A_2, %add3A_483 : i32
    %dma_start3A_485 = arith.constant 0 : i32
    %dma_start3A_486 = arith.constant 0 : i32
    %dma_start3A_487 = tpu.memref_slice %arg5[%add3A_484, %dma_start3A_486] : memref<131072x128xf32, #tpu.memory_space<hbm>> -> memref<256x128xf32, #tpu.memory_space<hbm>>
    %dma_start3A_488 = tpu.memref_slice %arg12[%dma_start3A_485] : memref<3x!tpu.dma_semaphore, #tpu.memory_space<semaphore_mem>> -> memref<1x!tpu.dma_semaphore, #tpu.memory_space<semaphore_mem>>
    %dma_start3A_489 = tpu.memref_squeeze %dma_start3A_488 : memref<1x!tpu.dma_semaphore, #tpu.memory_space<semaphore_mem>> -> memref<!tpu.dma_semaphore, #tpu.memory_space<semaphore_mem>>
    %dma_start3A_490 = arith.constant 0 : i32
    %dma_start3A_491 = tpu.memref_slice %arg5[%add3A_484, %dma_start3A_490] : memref<131072x128xf32, #tpu.memory_space<hbm>> -> memref<256x128xf32, #tpu.memory_space<hbm>>
    tpu.enqueue_dma source(%arg6 : memref<256x128xf32, #tpu.memory_space<vmem>>) target(%dma_start3A_491 : memref<256x128xf32, #tpu.memory_space<hbm>>) target_semaphore(%dma_start3A_489 : memref<!tpu.dma_semaphore, #tpu.memory_space<semaphore_mem>>)
    %dma_wait3A_492 = arith.constant 0 : i32
    %dma_wait3A_493 = arith.constant 0 : i32
    %dma_wait3A_494 = tpu.memref_slice %arg5[%add3A_484, %dma_wait3A_493] : memref<131072x128xf32, #tpu.memory_space<hbm>> -> memref<256x128xf32, #tpu.memory_space<hbm>>
    %dma_wait3A_495 = tpu.memref_slice %arg12[%dma_wait3A_492] : memref<3x!tpu.dma_semaphore, #tpu.memory_space<semaphore_mem>> -> memref<1x!tpu.dma_semaphore, #tpu.memory_space<semaphore_mem>>
    %dma_wait3A_496 = tpu.memref_squeeze %dma_wait3A_495 : memref<1x!tpu.dma_semaphore, #tpu.memory_space<semaphore_mem>> -> memref<!tpu.dma_semaphore, #tpu.memory_space<semaphore_mem>>
    %dma_wait3A_497 = arith.constant 0 : i32
    %dma_wait3A_498 = tpu.memref_slice %arg5[%add3A_484, %dma_wait3A_497] : memref<131072x128xf32, #tpu.memory_space<hbm>> -> memref<256x128xf32, #tpu.memory_space<hbm>>
    tpu.wait_dma2 semaphore(%dma_wait3A_496 : memref<!tpu.dma_semaphore, #tpu.memory_space<semaphore_mem>>) src(%arg6 : memref<256x128xf32, #tpu.memory_space<vmem>>) dst(%dma_wait3A_498 : memref<256x128xf32, #tpu.memory_space<hbm>>)
    %dma_wait3A_499 = arith.constant 1 : i32
    %dma_wait3A_500 = arith.constant 0 : i32
    %dma_wait3A_501 = tpu.memref_slice %arg5[%add3A_452, %dma_wait3A_500] : memref<131072x128xf32, #tpu.memory_space<hbm>> -> memref<256x128xf32, #tpu.memory_space<hbm>>
    %dma_wait3A_502 = tpu.memref_slice %arg12[%dma_wait3A_499] : memref<3x!tpu.dma_semaphore, #tpu.memory_space<semaphore_mem>> -> memref<1x!tpu.dma_semaphore, #tpu.memory_space<semaphore_mem>>
    %dma_wait3A_503 = tpu.memref_squeeze %dma_wait3A_502 : memref<1x!tpu.dma_semaphore, #tpu.memory_space<semaphore_mem>> -> memref<!tpu.dma_semaphore, #tpu.memory_space<semaphore_mem>>
    %dma_wait3A_504 = arith.constant 0 : i32
    %dma_wait3A_505 = tpu.memref_slice %arg5[%add3A_452, %dma_wait3A_504] : memref<131072x128xf32, #tpu.memory_space<hbm>> -> memref<256x128xf32, #tpu.memory_space<hbm>>
    tpu.wait_dma2 semaphore(%dma_wait3A_503 : memref<!tpu.dma_semaphore, #tpu.memory_space<semaphore_mem>>) src(%arg7 : memref<256x128xf32, #tpu.memory_space<vmem>>) dst(%dma_wait3A_505 : memref<256x128xf32, #tpu.memory_space<hbm>>)
    %dma_wait3A_506 = arith.constant 2 : i32
    %dma_wait3A_507 = arith.constant 0 : i32
    %dma_wait3A_508 = tpu.memref_slice %arg5[%add3A_468, %dma_wait3A_507] : memref<131072x128xf32, #tpu.memory_space<hbm>> -> memref<256x128xf32, #tpu.memory_space<hbm>>
    %dma_wait3A_509 = tpu.memref_slice %arg12[%dma_wait3A_506] : memref<3x!tpu.dma_semaphore, #tpu.memory_space<semaphore_mem>> -> memref<1x!tpu.dma_semaphore, #tpu.memory_space<semaphore_mem>>
    %dma_wait3A_510 = tpu.memref_squeeze %dma_wait3A_509 : memref<1x!tpu.dma_semaphore, #tpu.memory_space<semaphore_mem>> -> memref<!tpu.dma_semaphore, #tpu.memory_space<semaphore_mem>>
    %dma_wait3A_511 = arith.constant 0 : i32
    %dma_wait3A_512 = tpu.memref_slice %arg5[%add3A_468, %dma_wait3A_511] : memref<131072x128xf32, #tpu.memory_space<hbm>> -> memref<256x128xf32, #tpu.memory_space<hbm>>
    tpu.wait_dma2 semaphore(%dma_wait3A_510 : memref<!tpu.dma_semaphore, #tpu.memory_space<semaphore_mem>>) src(%arg8 : memref<256x128xf32, #tpu.memory_space<vmem>>) dst(%dma_wait3A_512 : memref<256x128xf32, #tpu.memory_space<hbm>>)
    "tpu.region"() ({
      %run_scoped3A = tpu.sem_alloc : memref<!tpu.dma_semaphore, #tpu.memory_space<semaphore_mem>>
      %dma_start3A_519 = arith.constant 0 : i32
      %dma_start3A_520 = tpu.memref_slice %arg3[%add3A, %dma_start3A_519] : memref<32x8xi32, #tpu.memory_space<hbm>> -> memref<1x8xi32, #tpu.memory_space<hbm>>
      %dma_start3A_521 = tpu.memref_squeeze %dma_start3A_520 : memref<1x8xi32, #tpu.memory_space<hbm>> -> memref<8xi32, #tpu.memory_space<hbm>>
      %dma_start3A_522 = arith.constant 0 : i32
      %dma_start3A_523 = tpu.memref_slice %arg3[%add3A, %dma_start3A_522] : memref<32x8xi32, #tpu.memory_space<hbm>> -> memref<1x8xi32, #tpu.memory_space<hbm>>
      %dma_start3A_524 = tpu.memref_squeeze %dma_start3A_523 : memref<1x8xi32, #tpu.memory_space<hbm>> -> memref<8xi32, #tpu.memory_space<hbm>>
      tpu.enqueue_dma source(%dma_start3A_524 : memref<8xi32, #tpu.memory_space<hbm>>) target(%arg9 : memref<8xi32, #tpu.memory_space<vmem>>) target_semaphore(%run_scoped3A : memref<!tpu.dma_semaphore, #tpu.memory_space<semaphore_mem>>)
      %dma_wait3A_525 = arith.constant 0 : i32
      %dma_wait3A_526 = tpu.memref_slice %arg3[%add3A, %dma_wait3A_525] : memref<32x8xi32, #tpu.memory_space<hbm>> -> memref<1x8xi32, #tpu.memory_space<hbm>>
      %dma_wait3A_527 = tpu.memref_squeeze %dma_wait3A_526 : memref<1x8xi32, #tpu.memory_space<hbm>> -> memref<8xi32, #tpu.memory_space<hbm>>
      %dma_wait3A_528 = arith.constant 0 : i32
      %dma_wait3A_529 = tpu.memref_slice %arg3[%add3A, %dma_wait3A_528] : memref<32x8xi32, #tpu.memory_space<hbm>> -> memref<1x8xi32, #tpu.memory_space<hbm>>
      %dma_wait3A_530 = tpu.memref_squeeze %dma_wait3A_529 : memref<1x8xi32, #tpu.memory_space<hbm>> -> memref<8xi32, #tpu.memory_space<hbm>>
      tpu.wait_dma2 semaphore(%run_scoped3A : memref<!tpu.dma_semaphore, #tpu.memory_space<semaphore_mem>>) src(%dma_wait3A_530 : memref<8xi32, #tpu.memory_space<hbm>>) dst(%arg9 : memref<8xi32, #tpu.memory_space<vmem>>)
      tpu.yield
    }) : () -> ()
    "tpu.region"() ({
      %run_scoped3A = tpu.sem_alloc : memref<!tpu.dma_semaphore, #tpu.memory_space<semaphore_mem>>
      %dma_start3A_519 = arith.constant 0 : i32
      %dma_start3A_520 = arith.constant 0 : i32
      %dma_start3A_521 = tpu.memref_slice %arg4[%add3A, %dma_start3A_519, %dma_start3A_520] : memref<32x8x128xf32, #tpu.memory_space<hbm>> -> memref<1x8x128xf32, #tpu.memory_space<hbm>>
      %dma_start3A_522 = tpu.memref_squeeze %dma_start3A_521 : memref<1x8x128xf32, #tpu.memory_space<hbm>> -> memref<8x128xf32, #tpu.memory_space<hbm>>
      %dma_start3A_523 = arith.constant 0 : i32
      %dma_start3A_524 = arith.constant 0 : i32
      %dma_start3A_525 = tpu.memref_slice %arg4[%add3A, %dma_start3A_523, %dma_start3A_524] : memref<32x8x128xf32, #tpu.memory_space<hbm>> -> memref<1x8x128xf32, #tpu.memory_space<hbm>>
      %dma_start3A_526 = tpu.memref_squeeze %dma_start3A_525 : memref<1x8x128xf32, #tpu.memory_space<hbm>> -> memref<8x128xf32, #tpu.memory_space<hbm>>
      tpu.enqueue_dma source(%dma_start3A_526 : memref<8x128xf32, #tpu.memory_space<hbm>>) target(%arg10 : memref<8x128xf32, #tpu.memory_space<vmem>>) target_semaphore(%run_scoped3A : memref<!tpu.dma_semaphore, #tpu.memory_space<semaphore_mem>>)
      %dma_wait3A_527 = arith.constant 0 : i32
      %dma_wait3A_528 = arith.constant 0 : i32
      %dma_wait3A_529 = tpu.memref_slice %arg4[%add3A, %dma_wait3A_527, %dma_wait3A_528] : memref<32x8x128xf32, #tpu.memory_space<hbm>> -> memref<1x8x128xf32, #tpu.memory_space<hbm>>
      %dma_wait3A_530 = tpu.memref_squeeze %dma_wait3A_529 : memref<1x8x128xf32, #tpu.memory_space<hbm>> -> memref<8x128xf32, #tpu.memory_space<hbm>>
      %dma_wait3A_531 = arith.constant 0 : i32
      %dma_wait3A_532 = arith.constant 0 : i32
      %dma_wait3A_533 = tpu.memref_slice %arg4[%add3A, %dma_wait3A_531, %dma_wait3A_532] : memref<32x8x128xf32, #tpu.memory_space<hbm>> -> memref<1x8x128xf32, #tpu.memory_space<hbm>>
      %dma_wait3A_534 = tpu.memref_squeeze %dma_wait3A_533 : memref<1x8x128xf32, #tpu.memory_space<hbm>> -> memref<8x128xf32, #tpu.memory_space<hbm>>
      tpu.wait_dma2 semaphore(%run_scoped3A : memref<!tpu.dma_semaphore, #tpu.memory_space<semaphore_mem>>) src(%dma_wait3A_534 : memref<8x128xf32, #tpu.memory_space<hbm>>) dst(%arg10 : memref<8x128xf32, #tpu.memory_space<vmem>>)
      tpu.yield
    }) : () -> ()
    %dma_start3A_513 = arith.constant 0 : i32
    %dma_start3A_514 = arith.constant 0 : i32
    %dma_start3A_515 = tpu.memref_slice %arg5[%dma_start3A_513, %dma_start3A_514] : memref<131072x128xf32, #tpu.memory_space<hbm>> -> memref<131072x128xf32, #tpu.memory_space<hbm>>
    tpu.enqueue_indirect_dma source(%arg10 : memref<8x128xf32, #tpu.memory_space<vmem>>) target(%dma_start3A_515 : memref<131072x128xf32, #tpu.memory_space<hbm>>) offsets(%arg9 : memref<8xi32, #tpu.memory_space<vmem>>) semaphore(%arg13 : memref<!tpu.dma_semaphore, #tpu.memory_space<semaphore_mem>>)
    %dma_wait3A_516 = arith.constant 0 : i32
    %dma_wait3A_517 = arith.constant 0 : i32
    %dma_wait3A_518 = tpu.memref_slice %arg5[%dma_wait3A_516, %dma_wait3A_517] : memref<131072x128xf32, #tpu.memory_space<hbm>> -> memref<131072x128xf32, #tpu.memory_space<hbm>>
    tpu.wait_indirect_dma semaphore(%arg13 : memref<!tpu.dma_semaphore, #tpu.memory_space<semaphore_mem>>) src(%arg10 : memref<8x128xf32, #tpu.memory_space<vmem>>) dst(%dma_wait3A_518 : memref<131072x128xf32, #tpu.memory_space<hbm>>)
    return
  }
}

module attributes {stable_mosaic.version = 14 : i64} {
  func.func @_tc_k_body(%arg0: i32, %arg1: i32, %arg2: memref<8xi32, #tpu.memory_space<smem>>, %arg3: memref<1x4x2048x128xf32, #tpu.memory_space<vmem>>, %arg4: memref<1x4x1x128xf32, #tpu.memory_space<vmem>>, %arg5: memref<1x4x2048x128xf32, #tpu.memory_space<vmem>>) attributes {dimension_semantics = [#tpu.dimension_semantics<arbitrary>, #tpu.dimension_semantics<arbitrary>], iteration_bounds = array<i64: 8, 2>, scalar_prefetch = 1 : i64, scratch_operands = 0 : i64, tpu.core_type = #tpu.core_type<tc>, window_params = [{transform_indices = @transform_0, window_bounds = array<i64: 1, 4, 2048, 128>}, {transform_indices = @transform_1, window_bounds = array<i64: 1, 4, 1, 128>}, {transform_indices = @transform_2, window_bounds = array<i64: 1, 4, 2048, 128>}]} {
    %get3A = arith.index_cast %arg0 : i32 to index
    %get3A_0 = memref.load %arg2[%get3A] : memref<8xi32, #tpu.memory_space<smem>>
    %get3A_1 = arith.constant 0 : index
    %get3A_2 = arith.constant 0 : index
    %get3A_3 = arith.constant 0 : index
    %get3A_4 = arith.constant 0 : index
    %get3A_5 = vector.load %arg3[%get3A_1, %get3A_2, %get3A_3, %get3A_4] : memref<1x4x2048x128xf32, #tpu.memory_space<vmem>>, vector<1x4x2048x128xf32>
    %swap3A = arith.constant 0 : index
    %swap3A_6 = arith.constant 0 : index
    %swap3A_7 = arith.constant 0 : index
    %swap3A_8 = arith.constant 0 : index
    %swap3A_9 = vector.load %arg5[%swap3A, %swap3A_6, %swap3A_7, %swap3A_8] : memref<1x4x2048x128xf32, #tpu.memory_space<vmem>>, vector<1x4x2048x128xf32>
    tpu.vector_store %arg5[%swap3A, %swap3A_6, %swap3A_7, %swap3A_8], %get3A_5 {strides = array<i32>} : memref<1x4x2048x128xf32, #tpu.memory_space<vmem>>, vector<1x4x2048x128xf32>,
    %get3A_10 = arith.constant 0 : index
    %get3A_11 = arith.constant 0 : index
    %get3A_12 = arith.constant 0 : index
    %get3A_13 = arith.constant 0 : index
    %get3A_14 = vector.load %arg4[%get3A_10, %get3A_11, %get3A_12, %get3A_13] : memref<1x4x1x128xf32, #tpu.memory_space<vmem>>, vector<1x4x1x128xf32>
    %get3A_15 = vector.shape_cast %get3A_14 : vector<1x4x1x128xf32> to vector<4x128xf32>
    %swap3A_16 = arith.constant 0 : index
    %swap3A_17 = arith.constant 0 : index
    %swap3A_18 = arith.index_cast %get3A_0 : i32 to index
    %swap3A_19 = arith.constant 0 : index
    %swap3A_20 = vector.load %arg5[%swap3A_16, %swap3A_17, %swap3A_18, %swap3A_19] : memref<1x4x2048x128xf32, #tpu.memory_space<vmem>>, vector<1x4x1x128xf32>
    %swap3A_21 = vector.shape_cast %swap3A_20 : vector<1x4x1x128xf32> to vector<4x128xf32>
    %swap3A_22 = vector.shape_cast %get3A_15 : vector<4x128xf32> to vector<1x4x1x128xf32>
    tpu.vector_store %arg5[%swap3A_16, %swap3A_17, %swap3A_18, %swap3A_19], %swap3A_22 {strides = array<i32>} : memref<1x4x2048x128xf32, #tpu.memory_space<vmem>>, vector<1x4x1x128xf32>,
    return
  }
  func.func @transform_0(%arg0: i32, %arg1: i32, %arg2: memref<8xi32, #tpu.memory_space<smem>>) -> (i32, i32, i32, i32) {
    %c0_i32 = arith.constant 0 : i32
    %c0_i32_0 = arith.constant 0 : i32
    %c0_i32_1 = arith.constant 0 : i32
    return %arg0, %arg1, %c0_i32, %c0_i32_0 : i32, i32, i32, i32
  }
  func.func @transform_1(%arg0: i32, %arg1: i32, %arg2: memref<8xi32, #tpu.memory_space<smem>>) -> (i32, i32, i32, i32) {
    %c0_i32 = arith.constant 0 : i32
    %c0_i32_0 = arith.constant 0 : i32
    %c0_i32_1 = arith.constant 0 : i32
    return %arg0, %arg1, %c0_i32, %c0_i32_0 : i32, i32, i32, i32
  }
  func.func @transform_2(%arg0: i32, %arg1: i32, %arg2: memref<8xi32, #tpu.memory_space<smem>>) -> (i32, i32, i32, i32) {
    %c0_i32 = arith.constant 0 : i32
    %c0_i32_0 = arith.constant 0 : i32
    %c0_i32_1 = arith.constant 0 : i32
    return %arg0, %arg1, %c0_i32, %c0_i32_0 : i32, i32, i32, i32
  }
}

</mosaic_0001>

<sc_bundles>
// kernel: kernel.4.cloned.1.call-start
scs
__scs_entry_jumppad:
0x0: {  	(pc) =	sbr.rel $0x88, $3  }
0x1: {  	(tag) =	ssettag $0x0;
	lr =	simm.s32 $0x1  }
0x2: {  	[smem:$0x3F9C] =	sst lr;
	_ =	strace $0xD0000000  }
0x3: {  	_ = 	snop  }
0x4: {  	_ = 	snop  }
0x5: {  	_ = 	snop  }
0x6: {  	_ = 	snop  }
0x7: {  	_ = 	snop  }
__scs_overlays_trampoline_lowered:
0x8: {  	[smem:$0x3FAB] =	sst s0  }
0x9: {  	[smem:$0x3FAC] =	sst s1  }
0xa: {  	[smem:$0x3FAD] =	sst s2  }
0xb: {  	[smem:$0x3FAE] =	sst s3  }
0xc: {  	[smem:$0x3FAF] =	sst s4  }
0xd: {  	[smem:$0x3FB0] =	sst s5  }
0xe: {  	[smem:$0x3FB1] =	sst s6  }
0xf: {  	[smem:$0x3FB2] =	sst s7  }
0x10: {  	[smem:$0x3FB3] =	sst s8  }
0x11: {  	[smem:$0x3FB4] =	sst s9;
	s0 =	simm.s32 @!p0 $0x0  }
0x12: {  	s1 =	sld [smem:$0x3F9A];
	s0 =	simm.s32 @p0 $0x1  }
0x13: {  	[smem:$0x3FB5] =	sst s0;
	s0 =	simm.s32 @!p1 $0x0  }
0x14: {  	s2 =	sld [smem:$0x3F99];
	s0 =	simm.s32 @p1 $0x1  }
0x15: {  	[smem:$0x3FB6] =	sst s0;
	s0 =	simm.s32 @!p2 $0x0  }
0x16: {  	s3 =	sld [smem:$0x3FDB];
	s0 =	simm.s32 @p2 $0x1  }
0x17: {  	s4 =	simm.s32 $0x1BF5;
	[smem:$0x3FB8] =	sst s0  }
0x18: {  	s0 =	sld [smem:$0x3F9B];
	_ =	swait.ge [sflag:s4], $0x0  }
0x19: {  	s7 =	sld [smem:$0x3F9C]  }
0x1a: {  	s8 =	sadd.s32 $0xFFFFE003, lr  }
0x1b: {  	s9 =	sadd.s32 $0xFFFFFEF7, lr;
	s5 =	simm.s32 $0xFFFFFFFF;
	p2 =	slt.u32 s8, $0xFFFFF086  }
0x1c: {  	p1 =	slt.u32 s9, $0xF7A;
	s5 =	simm.s32 @!p2 $0x0  }
0x1d: {  	s5 =	simm.s32 @p1 $0x1;
	p0 =	seq.s32 s7, s2  }
0x1e: {  	s7 =	smul.u32 @!p0 $0xF7A, s2;
	p2 =	seq.s32 @!p0 s5, $0x0  }
0x1f: {  	s9 =	smul.u32 $0xF7A, s1;
	s8 =	simm.s32 @!p0 $0x1BF5;
	p2 =	por !p2, p0  }
0x20: {  	[sflag:s8] =	ssyncset.s32 @!p0 $0xFFFFF086;
	s6 =	sadd.s32 @!p0 s3, s7;
	s7 =	simm.s32 @!p0 $0x108  }
0x21: {  	s3 =	sadd.s32 s3, s9;
	s6 =	sadd.s32 @!p0 $0x88, s6;
	s7 =	simm.s32 @p2 $0x1082  }
0x22: {  	[simem:s7], [sflag:s8] =	dma.local @!p0 [hbm:s6], $0xF7A  }
0x23: {  	s9 =	sor.u32 $0xD0000000, s2;
	s6 =	simm.s32 $0x108;
	_ =	swait.ge @!p0 [sflag:s8], $0x0  }
0x24: {  	s3 =	sadd.s32 $0x88, s3;
	s6 =	simm.s32 @!p1 $0x1082;
	[sflag:s4] =	ssyncset.s32 $0xFFFFF086  }
0x25: {  	[simem:s6], [sflag:s4] =	dma.local [hbm:s3], $0xF7A  }
0x26: {  	[smem:$0x3F9C] =	sst s1;
	(tag) =	ssettag s2;
	_ =	strace s9  }
0x27: {  	s1 =	sld [smem:$0x3FAC]  }
0x28: {  	s2 =	sld [smem:$0x3FAD]  }
0x29: {  	s4 =	sld [smem:$0x3FAF]  }
0x2a: {  	p0 =	seq.s32 s5, $0x0;
	s5 =	sld [smem:$0x3FB0]  }
0x2b: {  	s6 =	sld [smem:$0x3FB1]  }
0x2c: {  	s7 =	sld [smem:$0x3FB2]  }
0x2d: {  	s3 =	simm.s32 $0x108;
	s8 =	sld [smem:$0x3FB3]  }
0x2e: {  	s3 =	simm.s32 @!p0 $0x1082;
	s9 =	sld [smem:$0x3FB4]  }
0x2f: {  	lr =	sadd.s32 s0, s3;
	s0 =	sld [smem:$0x3FAB]  }
0x30: {  	s3 =	sld [smem:$0x3FAE]  }
0x31: {  	[smem:$0x3FB7] =	sst s10  }
0x32: {  	s10 =	sld [smem:$0x3FB5];
	_ =	sdelay $0x3  }
0x33: {  	p0 =	seq.s32 s10, $0x1;
	s10 =	sld [smem:$0x3FB7];
	_ =	sdelay $0x3  }
0x34: {  	[smem:$0x3FB7] =	sst s10  }
0x35: {  	s10 =	sld [smem:$0x3FB6];
	_ =	sdelay $0x3  }
0x36: {  	p1 =	seq.s32 s10, $0x1;
	s10 =	sld [smem:$0x3FB7];
	_ =	sdelay $0x3  }
0x37: {  	[smem:$0x3FB7] =	sst s10  }
0x38: {  	s10 =	sld [smem:$0x3FB8]  }
0x39: {  	_ = 	snop;
	(pc) =	sbr.ind lr, $3  }
0x3a: {  	_ = 	snop  }
0x3b: {  	_ = 	snop  }
0x3c: {  	p2 =	seq.s32 s10, $0x1;
	s10 =	sld [smem:$0x3FB7]  }
0x3d: {  	_ =	shalt  }
0x3e: {  	_ =	shalt  }
0x3f: {  	_ =	shalt  }
0x40: {  	_ =	shalt  }
0x41: {  	_ =	shalt  }
0x42: {  	_ =	shalt  }
0x43: {  	_ =	shalt  }
0x44: {  	_ =	shalt  }
0x45: {  	_ =	shalt  }
0x46: {  	_ =	shalt  }
0x47: {  	_ =	shalt  }
0x48: {  	_ =	shalt  }
0x49: {  	_ =	shalt  }
0x4a: {  	_ =	shalt  }
0x4b: {  	_ =	shalt  }
0x4c: {  	_ =	shalt  }
0x4d: {  	_ =	shalt  }
0x4e: {  	_ =	shalt  }
0x4f: {  	_ =	shalt  }
0x50: {  	_ =	shalt  }
0x51: {  	_ =	shalt  }
0x52: {  	_ =	shalt  }
0x53: {  	_ =	shalt  }
0x54: {  	_ =	shalt  }
0x55: {  	_ =	shalt  }
0x56: {  	_ =	shalt  }
0x57: {  	_ =	shalt  }
0x58: {  	_ =	shalt  }
0x59: {  	_ =	shalt  }
0x5a: {  	_ =	shalt  }
0x5b: {  	_ =	shalt  }
0x5c: {  	_ =	shalt  }
0x5d: {  	_ =	shalt  }
0x5e: {  	_ =	shalt  }
0x5f: {  	_ =	shalt  }
0x60: {  	_ =	shalt  }
0x61: {  	_ =	shalt  }
0x62: {  	_ =	shalt  }
0x63: {  	_ =	shalt  }
0x64: {  	_ =	shalt  }
0x65: {  	_ =	shalt  }
0x66: {  	_ =	shalt  }
0x67: {  	_ =	shalt  }
0x68: {  	_ =	shalt  }
0x69: {  	_ =	shalt  }
0x6a: {  	_ =	shalt  }
0x6b: {  	_ =	shalt  }
0x6c: {  	_ =	shalt  }
0x6d: {  	_ =	shalt  }
0x6e: {  	_ =	shalt  }
0x6f: {  	_ =	shalt  }
0x70: {  	_ =	shalt  }
0x71: {  	_ =	shalt  }
0x72: {  	_ =	shalt  }
0x73: {  	_ =	shalt  }
0x74: {  	_ =	shalt  }
0x75: {  	_ =	shalt  }
0x76: {  	_ =	shalt  }
0x77: {  	_ =	shalt  }
0x78: {  	_ =	shalt  }
0x79: {  	_ =	shalt  }
0x7a: {  	_ =	shalt  }
0x7b: {  	_ =	shalt  }
0x7c: {  	_ =	shalt  }
0x7d: {  	_ =	shalt  }
0x7e: {  	_ =	shalt  }
0x7f: {  	_ =	shalt  }
0x80: {  	_ =	shalt  }
0x81: {  	_ =	shalt  }
0x82: {  	_ =	shalt  }
0x83: {  	_ =	shalt  }
0x84: {  	_ =	shalt  }
0x85: {  	_ =	shalt  }
0x86: {  	_ =	shalt  }
0x87: {  	_ =	shalt  }
.Lfunc_end0:
.L_simem_size_0:
called_computation_lowered:
.L_overlay_start_0:
0x88: {  	s2 =	sld [smem:$0x3FD9]  }
0x89: {  	s3 =	sld [smem:$0x3FFE];
	_ =	sdelay $0x1  }
0x8a: {  	s1 =	srdreg.scid  }
0x8b: {  	s0 =	sand.u32 $0x1, s1  }
0x8c: {  	s14 =	sshll.u32 s0, $0xA;
	s2 =	sadd.s32 s3, s2  }
0x8d: {  	s2 =	sadd.s32 s2, s14  }
0x8e: {  	[smem:$0x3FC3] =	sst s2  }
0x8f: {  	_ = 	snop  }
0x90: {  	s2 =	sld [smem:$0x3FD0];
	_ =	sdelay $0x2  }
0x91: {  	s4 =	simm.s32 $0xA;
	s5 =	simm.s32 $0x10;
	s15 =	sld [smem:$0x3FC8]  }
0x92: {  	[smem:s5], [sflag:s4] =	dma.local [hbm:s2], $0x1  }
0x93: {  	_ =	swait.eq [sflag:s4], $0x1  }
0x94: {  	[sflag:s4] =	ssyncset.done $0x0  }
0x95: {  	[sflag:s4] =	ssyncadd.s32 $0xFFFFFFFF  }
0x96: {  	s16 =	sld [smem:$0x11];
	(tm) =	ssettm $0x1  }
0x97: {  	s17 =	sld [smem:$0x3FFB];
	_ =	sdelay $0x3  }
0x98: {  	_ =	strace s17  }
0x99: {  	s4 =	sld [smem:$0x3FFC];
	_ =	sdelay $0x3  }
0x9a: {  	_ =	strace s4  }
0x9b: {  	s4 =	sld [smem:$0x3FFD];
	_ =	sdelay $0x3  }
0x9c: {  	_ =	strace s4  }
0x9d: {  	_ =	strace $0x8FFFFFFF  }
0x9e: {  	s18 =	sld [smem:$0x3FDB];
	_ =	sdelay $0x1  }
0x9f: {  	s19 =	simm.s32 $_scs_section_size  }
0xa0: {  	s6 =	simm.s32 $_size__tile_overlayer_lowered;
	s7 =	simm.s32 $_tile_overlayer_lowered  }
0xa1: {  	s22 =	simm.s32 $0x1BFF;
	s21 =	sshll.u32 s7, $0x1;
	s4 =	sadd.s32 s19, s18  }
0xa2: {  	s8 =	simm.s32 $0x0;
	s20 =	sshll.u32 s6, $0x1;
	s6 =	sadd.s32 s21, s4  }
0xa3: {  	[timem:s8], [sflag:s22] =	dma.local [hbm:s6], s20  }
0xa4: {  	_ =	swait.ge [sflag:s22], s20  }
0xa5: {  	s5 =	ssub.s32 $0x0, s20;
	[sflag:s22] =	ssyncset.done $0x0  }
0xa6: {  	[sflag:s22] =	ssyncadd.s32 s5;
	_ =	sdelay $0x1  }
0xa7: {  	s23 =	simm.s32 $0x1B8B  }
0xa8: {  	_ =	swait.ge [sflag:s23], $0x1  }
0xa9: {  	[sflag:s23] =	ssyncset.done $0x0  }
0xaa: {  	s25 =	simm.s32 $0x1B8E;
	s24 =	sld [smem:$0x3FFE];
	[sflag:s23] =	ssyncadd.s32 $0xFFFFFFFF  }
0xab: {  	s26 =	simm.s32 $execute0_lowered;
	[smem:$0x3FD2] =	sst s25  }
0xac: {  	s6 =	sshll.u32 s26, $0x1;
	_ =	strace $0x80000046;
	[dreg:$0x1] =	wrdreg $0xFFFFFFFF  }
0xad: {  	s28 =	simm.s32 $_size_execute0_lowered;
	s4 =	sadd.s32 s4, s6;
	[dreg:$0x0] =	wrdreg $0x0  }
0xae: {  	s6 =	sshll.u32 s28, $0x1;
	[dreg:$0x2] =	wrdreg s4  }
0xaf: {  	[dreg:$0x3] =	wrdreg s6  }
0xb0: {  	[dreg:$0x4] =	wrdreg $0xC0  }
0xb1: {  	_ =	task [dreg:s8], $0x5FFFF  }
0xb2: {  	[dreg:$0x1] =	wrdreg $0xFFFFFFFF  }
0xb3: {  	[dreg:$0x0] =	wrdreg $0x60  }
0xb4: {  	[dreg:$0x2] =	wrdreg s15  }
0xb5: {  	[dreg:$0x3] =	wrdreg s24  }
0xb6: {  	[dreg:$0x4] =	wrdreg s16  }
0xb7: {  	[dreg:$0x5] =	wrdreg $0x9  }
0xb8: {  	_ =	task.clear_ibuf [dreg:s8], $0x6FFFF;
	_ =	strace $0x90000046  }
0xb9: {  	s29 =	simm.s32 $0x9;
	_ =	strace $0x80000048  }
0xba: {  	_ =	swait.ge [sflag:s29], $0x1  }
0xbb: {  	[sflag:s29] =	ssyncadd.s32 $0xFFFFFFFF  }
0xbc: {  	_ =	strace $0x90000048  }
0xbd: {  	_ =	sfence  }
0xbe: {  	s30 =	sld [smem:$0x0];
	_ =	sdelay $0x2  }
0xbf: {  	s31 =	sshll.u32 s1, $0xD;
	s1 =	sshrl.u32 s1, $0x2  }
0xc0: {  	s3 =	sand.u32 $0x4000, s31;
	s1 =	sadd.s32 s1, s30  }
0xc1: {  	s0 =	sor.u32 s3, s0;
	s1 =	sshll.u32 s1, $0x11  }
0xc2: {  	s0 =	sor.u32 s1, s0  }
0xc3: {  	s0 =	sadd.s32 $0x8F2B, s0  }
0xc4: {  	[sflag:s0] =	ssyncadd.remote.s32 $0x1  }
0xc5: {  	_ =	sfence.sel $0xFFFF  }
0xc6: {  	[dreg:$0x0] =	wrdreg $0xFFFFFFFF;
	(pc) =	sbr.abs _section_cstart, $3  }
0xc7: {  	[dreg:$0x1] =	wrdreg $0xFFFFFFFF  }
0xc8: {  	_ =	task.clear_ibuf [dreg:s8], $0x2FFFF;
	_ =	strace $0x9FFFFFFF  }
0xc9: {  	(tm) =	ssettm $0x7FFFFFFF  }
tec
execute0_lowered:
.L_overlay_start_1:
0x0: {  	(tag) =	ssettag $0x1  }
0x1: {  	s1 =	rddreg [dreg:$0x0]  }
0x2: {  	s3 =	srdreg.scid;
	s2 =	stileid.u32  }
0x3: {  	s0 =	rddreg [dreg:$0x1];
	s5 =	sand.u32 $0x1, s3;
	s4 =	sshll.u32 s2, $0x1  }
0x4: {  	s14 =	rddreg [dreg:$0x2];
	s3 =	simm.s32 $0x0;
	s6 =	sor.u32 s5, s4  }
0x5: {  	p0 =	por $0x0, $0x0;
	[smem:$0x7FF] =	sst s3;
	s4 =	sshll.u32 s6, $0x10  }
0x6: {  	s5 =	ssub.s32 $0x2, s5;
	_ =	strace $0x80000047;
	s7 =	sadd.s32 s1, s4  }
0x7: {  	s8 =	sor.u32 $0x1000, s4;
	s9 =	sor.u32 $0x2000, s4;
	s23 =	sadd.s32 s14, s4  }
0x8: {  	s10 =	sor.u32 $0x3000, s4;
	s26 =	sor.u32 $0x4000, s4;
	[dreg:$0x4] =	wrdreg s7  }
0x9: {  	s13 =	sor.u32 $0x5000, s4;
	s21 =	sadd.s32 s1, s8;
	[dreg:$0x7] =	wrdreg s23  }
0xa: {  	s17 =	sor.u32 $0x6000, s4;
	s22 =	sadd.s32 s1, s9;
	[dreg:$0x5] =	wrdreg s21  }
0xb: {  	s20 =	sor.u32 $0x7000, s4;
	s24 =	sadd.s32 s1, s10;
	[dreg:$0x6] =	wrdreg s22  }
0xc: {  	s25 =	sadd.s32 s14, s8;
	s11 =	sadd.s32 s1, s26;
	[dreg:$0x8] =	wrdreg s24  }
0xd: {  	s12 =	sadd.s32 s14, s9;
	s15 =	sadd.s32 s1, s13;
	[dreg:$0x9] =	wrdreg s25  }
0xe: {  	s16 =	sadd.s32 s14, s10;
	s18 =	sadd.s32 s1, s17;
	[dreg:$0xa] =	wrdreg s11  }
0xf: {  	s19 =	sadd.s32 s14, s26;
	s23 =	sor.u32 $0x8000, s4;
	[dreg:$0xb] =	wrdreg s12  }
0x10: {  	s26 =	sor.u32 $0x9000, s4;
	s8 =	simm.s32 $0x8;
	[dreg:$0xc] =	wrdreg s15  }
0x11: {  	s9 =	simm.s32 $0x18080;
	s7 =	simm.s32 $0x7;
	[dreg:$0xd] =	wrdreg s16  }
0x12: {  	s11 =	sshll.u32 s6, $0x4;
	[dreg:$0xe] =	wrdreg s18;
	s6 =	sshll.u32 s6, $0x7  }
0x13: {  	[dreg:$0xf] =	wrdreg s19;
	s21 =	sadd.s32 s1, s20;
	s22 =	sadd.s32 s14, s13  }
0x14: {  	s24 =	sadd.s32 s1, s23;
	s25 =	sadd.s32 s14, s17;
	s13 =	sadd.s32 s14, s20  }
0x15: {  	s15 =	sor.u32 $0xA000, s4;
	s16 =	sshrl.u32 s5, $0x1;
	s18 =	sor.u32 $0xB000, s4  }
0x16: {  	s31 =	sadd.s32 s14, s23;
	s19 =	sor.u32 $0xC000, s4;
	[dreg:$0x10] =	wrdreg s21  }
0x17: {  	s29 =	sadd.s32 s14, s26;
	s20 =	sor.u32 $0xD000, s4;
	[dreg:$0x11] =	wrdreg s22  }
0x18: {  	s23 =	sor.u32 $0xE000, s4;
	s4 =	sor.u32 $0xF000, s4;
	[dreg:$0x12] =	wrdreg s24  }
0x19: {  	s12 =	sadd.s32 s11, s0;
	s0 =	sadd.s32 s6, s0;
	[dreg:$0x13] =	wrdreg s25  }
0x1a: {  	s11 =	sadd.s32 s1, s26;
	[dreg:$0x15] =	wrdreg s13;
	s17 =	sadd.s32 s1, s15  }
0x1b: {  	s13 =	ssub.s32 s5, s16;
	s30 =	sadd.s32 s1, s18;
	s28 =	sadd.s32 s1, s19  }
0x1c: {  	s26 =	sadd.s32 s14, s15;
	s25 =	sadd.s32 s1, s20;
	s22 =	sadd.s32 s14, s18  }
0x1d: {  	s21 =	sadd.s32 s1, s23;
	s19 =	sadd.s32 s14, s19;
	s15 =	sadd.s32 s14, s20  }
0x1e: {  	s10 =	sadd.s32 s14, s4;
	s20 =	simm.s32 $0x8000;
	s24 =	smax.u32 s13, $0x1  }
0x1f: {  	s18 =	simm.s32 $0x10000;
	s16 =	simm.s32 $0x1;
	p1 =	sne.s32 s24, $0x1  }
.Ltmp0:
0x20: {  	s6 =	simm.s32 $0x18000;
	[dreg:$0x14] =	wrdreg s11;
	(pc) =	sbr.rel @!p1 .LBB2_5-.Ltmp0, $4  }
0x21: {  	[dreg:$0x16] =	wrdreg s17;
	s17 =	sadd.s32 s1, s4;
	s11 =	sadd.s32 s14, s23  }
0x22: {  	s5 =	sadd.s32 $0x800, s12;
	s4 =	sadd.s32 $0xA00, s0;
	s13 =	simm.s32 $0x4  }
0x23: {  	s23 =	simm.s32 $0x2;
	s12 =	simm.s32 $0x5;
	s14 =	simm.s32 $0x6  }
0x24: {  	s0 =	rddreg [dreg:$0x4];
	s1 =	sadd.s32 $0xFFFFFFFF, s24;
	s24 =	simm.s32 $0x3  }
0x25: {  	[tilespmem:s3], [sflag:$0x1] =	stream.linear.gather [hbm4b:s0+s3], $0x8000, $0x38;
	[tilespmem:$0x18480] =	vst v63  }
0x26: {  	s2 =	smov.u32 s1;
	s1 =	rddreg [dreg:$0x5]  }
0x27: {  	[tilespmem:s20], [sflag:$0x2] =	stream.linear.gather [hbm4b:s1+s3], $0x8000, $0x38;
	[tilespmem:$0x18480] =	vst v63  }
0x28: {  	s0 =	rddreg [dreg:$0x6]  }
0x29: {  	[tilespmem:s18], [sflag:$0x3] =	stream.linear.gather [hbm4b:s0+s3], $0x8000, $0x38;
	[tilespmem:$0x18480] =	vst v63  }
0x2a: {  	_ =	swait.ge [sflag:s16], $0x8000  }
0x2b: {  	[sflag:s16] =	ssyncset.done $0x0  }
0x2c: {  	s1 =	rddreg [dreg:$0x7];
	[sflag:s16] =	ssyncadd.s32 $0xFFFF8000  }
0x2d: {  	[hbm4b:s1+s3] =	stream.linear.scatter [tilespmem:s3], [sflag:$0x4], $0x8000, $0x38;
	[tilespmem:$0x18480] =	vst v63  }
0x2e: {  	_ =	swait.ge [sflag:s13], $0x8000  }
0x2f: {  	[sflag:s13] =	ssyncset.done $0x0  }
0x30: {  	s1 =	rddreg [dreg:$0x8];
	[sflag:s13] =	ssyncadd.s32 $0xFFFF8000  }
0x31: {  	[tilespmem:s3], [sflag:$0x1] =	stream.linear.gather [hbm4b:s1+s3], $0x8000, $0x38;
	[tilespmem:$0x18480] =	vst v63  }
0x32: {  	_ =	swait.ge [sflag:s23], $0x8000  }
0x33: {  	[sflag:s23] =	ssyncset.done $0x0  }
0x34: {  	s1 =	rddreg [dreg:$0x9];
	[sflag:s23] =	ssyncadd.s32 $0xFFFF8000  }
0x35: {  	[hbm4b:s1+s3] =	stream.linear.scatter [tilespmem:s20], [sflag:$0x5], $0x8000, $0x38;
	[tilespmem:$0x18480] =	vst v63  }
0x36: {  	_ =	swait.ge [sflag:s12], $0x8000  }
0x37: {  	[sflag:s12] =	ssyncset.done $0x0  }
0x38: {  	s1 =	rddreg [dreg:$0xa];
	[sflag:s12] =	ssyncadd.s32 $0xFFFF8000  }
0x39: {  	[tilespmem:s20], [sflag:$0x2] =	stream.linear.gather [hbm4b:s1+s3], $0x8000, $0x38;
	[tilespmem:$0x18480] =	vst v63  }
0x3a: {  	_ =	swait.ge [sflag:s24], $0x8000  }
0x3b: {  	[sflag:s24] =	ssyncset.done $0x0  }
0x3c: {  	s1 =	rddreg [dreg:$0xb];
	[sflag:s24] =	ssyncadd.s32 $0xFFFF8000  }
0x3d: {  	[hbm4b:s1+s3] =	stream.linear.scatter [tilespmem:s18], [sflag:$0x6], $0x8000, $0x38;
	[tilespmem:$0x18480] =	vst v63  }
0x3e: {  	_ =	swait.ge [sflag:s14], $0x8000  }
0x3f: {  	[sflag:s14] =	ssyncset.done $0x0  }
0x40: {  	s1 =	rddreg [dreg:$0xc];
	[sflag:s14] =	ssyncadd.s32 $0xFFFF8000  }
0x41: {  	[tilespmem:s18], [sflag:$0x3] =	stream.linear.gather [hbm4b:s1+s3], $0x8000, $0x38;
	[tilespmem:$0x18480] =	vst v63  }
0x42: {  	_ =	swait.ge [sflag:s16], $0x8000  }
0x43: {  	[sflag:s16] =	ssyncset.done $0x0  }
0x44: {  	s1 =	rddreg [dreg:$0xd];
	[sflag:s16] =	ssyncadd.s32 $0xFFFF8000  }
0x45: {  	[hbm4b:s1+s3] =	stream.linear.scatter [tilespmem:s3], [sflag:$0x4], $0x8000, $0x38;
	[tilespmem:$0x18480] =	vst v63  }
0x46: {  	_ =	swait.ge [sflag:s13], $0x8000  }
0x47: {  	[sflag:s13] =	ssyncset.done $0x0  }
0x48: {  	s1 =	rddreg [dreg:$0xe];
	[sflag:s13] =	ssyncadd.s32 $0xFFFF8000  }
0x49: {  	[tilespmem:s3], [sflag:$0x1] =	stream.linear.gather [hbm4b:s1+s3], $0x8000, $0x38;
	[tilespmem:$0x18480] =	vst v63  }
0x4a: {  	_ =	swait.ge [sflag:s23], $0x8000  }
0x4b: {  	[sflag:s23] =	ssyncset.done $0x0  }
0x4c: {  	s1 =	rddreg [dreg:$0xf];
	[sflag:s23] =	ssyncadd.s32 $0xFFFF8000  }
0x4d: {  	[hbm4b:s1+s3] =	stream.linear.scatter [tilespmem:s20], [sflag:$0x5], $0x8000, $0x38;
	[tilespmem:$0x18480] =	vst v63  }
0x4e: {  	_ =	swait.ge [sflag:s12], $0x8000  }
0x4f: {  	[sflag:s12] =	ssyncset.done $0x0  }
0x50: {  	s1 =	rddreg [dreg:$0x10];
	[sflag:s12] =	ssyncadd.s32 $0xFFFF8000  }
0x51: {  	[tilespmem:s20], [sflag:$0x2] =	stream.linear.gather [hbm4b:s1+s3], $0x8000, $0x38;
	[tilespmem:$0x18480] =	vst v63  }
0x52: {  	_ =	swait.ge [sflag:s24], $0x8000  }
0x53: {  	[sflag:s24] =	ssyncset.done $0x0  }
0x54: {  	s1 =	rddreg [dreg:$0x11];
	[sflag:s24] =	ssyncadd.s32 $0xFFFF8000  }
0x55: {  	[hbm4b:s1+s3] =	stream.linear.scatter [tilespmem:s18], [sflag:$0x6], $0x8000, $0x38;
	[tilespmem:$0x18480] =	vst v63  }
0x56: {  	_ =	swait.ge [sflag:s14], $0x8000  }
0x57: {  	[sflag:s14] =	ssyncset.done $0x0  }
0x58: {  	s1 =	rddreg [dreg:$0x12];
	[sflag:s14] =	ssyncadd.s32 $0xFFFF8000  }
0x59: {  	[tilespmem:s18], [sflag:$0x3] =	stream.linear.gather [hbm4b:s1+s3], $0x8000, $0x38;
	[tilespmem:$0x18480] =	vst v63  }
0x5a: {  	_ =	swait.ge [sflag:s16], $0x8000  }
0x5b: {  	[sflag:s16] =	ssyncset.done $0x0  }
0x5c: {  	s1 =	rddreg [dreg:$0x13];
	[sflag:s16] =	ssyncadd.s32 $0xFFFF8000  }
0x5d: {  	[hbm4b:s1+s3] =	stream.linear.scatter [tilespmem:s3], [sflag:$0x4], $0x8000, $0x38;
	[tilespmem:$0x18480] =	vst v63  }
0x5e: {  	_ =	swait.ge [sflag:s13], $0x8000  }
0x5f: {  	[sflag:s13] =	ssyncset.done $0x0  }
0x60: {  	s1 =	rddreg [dreg:$0x14];
	[sflag:s13] =	ssyncadd.s32 $0xFFFF8000  }
0x61: {  	[tilespmem:s3], [sflag:$0x1] =	stream.linear.gather [hbm4b:s1+s3], $0x8000, $0x38;
	[tilespmem:$0x18480] =	vst v63  }
0x62: {  	_ =	swait.ge [sflag:s23], $0x8000  }
0x63: {  	[sflag:s23] =	ssyncset.done $0x0  }
0x64: {  	s1 =	rddreg [dreg:$0x15];
	[sflag:s23] =	ssyncadd.s32 $0xFFFF8000  }
0x65: {  	[hbm4b:s1+s3] =	stream.linear.scatter [tilespmem:s20], [sflag:$0x5], $0x8000, $0x38;
	[tilespmem:$0x18480] =	vst v63  }
0x66: {  	_ =	swait.ge [sflag:s12], $0x8000  }
0x67: {  	[sflag:s12] =	ssyncset.done $0x0  }
0x68: {  	s1 =	rddreg [dreg:$0x16];
	[sflag:s12] =	ssyncadd.s32 $0xFFFF8000  }
0x69: {  	[tilespmem:s20], [sflag:$0x2] =	stream.linear.gather [hbm4b:s1+s3], $0x8000, $0x38;
	[tilespmem:$0x18480] =	vst v63  }
0x6a: {  	_ =	swait.ge [sflag:s24], $0x8000  }
0x6b: {  	[sflag:s24] =	ssyncset.done $0x0  }
0x6c: {  	[sflag:s24] =	ssyncadd.s32 $0xFFFF8000  }
0x6d: {  	[hbm4b:s31+s3] =	stream.linear.scatter [tilespmem:s18], [sflag:$0x6], $0x8000, $0x38;
	[tilespmem:$0x18480] =	vst v63  }
0x6e: {  	_ =	swait.ge [sflag:s14], $0x8000  }
0x6f: {  	[sflag:s14] =	ssyncset.done $0x0  }
0x70: {  	[sflag:s14] =	ssyncadd.s32 $0xFFFF8000  }
0x71: {  	[tilespmem:s18], [sflag:$0x3] =	stream.linear.gather [hbm4b:s30+s3], $0x8000, $0x38;
	[tilespmem:$0x18480] =	vst v63  }
0x72: {  	_ =	swait.ge [sflag:s16], $0x8000  }
0x73: {  	[sflag:s16] =	ssyncset.done $0x0  }
0x74: {  	[sflag:s16] =	ssyncadd.s32 $0xFFFF8000  }
0x75: {  	[hbm4b:s29+s3] =	stream.linear.scatter [tilespmem:s3], [sflag:$0x4], $0x8000, $0x38;
	[tilespmem:$0x18480] =	vst v63  }
0x76: {  	_ =	swait.ge [sflag:s13], $0x8000  }
0x77: {  	[sflag:s13] =	ssyncset.done $0x0  }
0x78: {  	[sflag:s13] =	ssyncadd.s32 $0xFFFF8000  }
0x79: {  	[tilespmem:s3], [sflag:$0x1] =	stream.linear.gather [hbm4b:s28+s3], $0x8000, $0x38;
	[tilespmem:$0x18480] =	vst v63  }
0x7a: {  	_ =	swait.ge [sflag:s23], $0x8000  }
0x7b: {  	[sflag:s23] =	ssyncset.done $0x0  }
0x7c: {  	[sflag:s23] =	ssyncadd.s32 $0xFFFF8000  }
0x7d: {  	[hbm4b:s26+s3] =	stream.linear.scatter [tilespmem:s20], [sflag:$0x5], $0x8000, $0x38;
	[tilespmem:$0x18480] =	vst v63  }
0x7e: {  	_ =	swait.ge [sflag:s12], $0x8000  }
0x7f: {  	[sflag:s12] =	ssyncset.done $0x0  }
0x80: {  	[sflag:s12] =	ssyncadd.s32 $0xFFFF8000  }
0x81: {  	[tilespmem:s20], [sflag:$0x2] =	stream.linear.gather [hbm4b:s25+s3], $0x8000, $0x38;
	[tilespmem:$0x18480] =	vst v63  }
0x82: {  	_ =	swait.ge [sflag:s24], $0x8000  }
0x83: {  	[sflag:s24] =	ssyncset.done $0x0  }
0x84: {  	[sflag:s24] =	ssyncadd.s32 $0xFFFF8000  }
0x85: {  	[hbm4b:s22+s3] =	stream.linear.scatter [tilespmem:s18], [sflag:$0x6], $0x8000, $0x38;
	[tilespmem:$0x18480] =	vst v63  }
0x86: {  	_ =	swait.ge [sflag:s14], $0x8000  }
0x87: {  	[sflag:s14] =	ssyncset.done $0x0  }
0x88: {  	[sflag:s14] =	ssyncadd.s32 $0xFFFF8000  }
0x89: {  	[tilespmem:s18], [sflag:$0x3] =	stream.linear.gather [hbm4b:s21+s3], $0x8000, $0x38;
	[tilespmem:$0x18480] =	vst v63  }
0x8a: {  	_ =	swait.ge [sflag:s16], $0x8000  }
0x8b: {  	[sflag:s16] =	ssyncset.done $0x0  }
0x8c: {  	[sflag:s16] =	ssyncadd.s32 $0xFFFF8000  }
0x8d: {  	[hbm4b:s19+s3] =	stream.linear.scatter [tilespmem:s3], [sflag:$0x4], $0x8000, $0x38;
	[tilespmem:$0x18480] =	vst v63  }
0x8e: {  	_ =	swait.ge [sflag:s13], $0x8000  }
0x8f: {  	[sflag:s13] =	ssyncset.done $0x0  }
0x90: {  	[sflag:s13] =	ssyncadd.s32 $0xFFFF8000  }
0x91: {  	[tilespmem:s3], [sflag:$0x1] =	stream.linear.gather [hbm4b:s17+s3], $0x8000, $0x38;
	[tilespmem:$0x18480] =	vst v63  }
0x92: {  	_ =	swait.ge [sflag:s23], $0x8000  }
0x93: {  	[sflag:s23] =	ssyncset.done $0x0  }
0x94: {  	[sflag:s23] =	ssyncadd.s32 $0xFFFF8000  }
0x95: {  	[hbm4b:s15+s3] =	stream.linear.scatter [tilespmem:s20], [sflag:$0x5], $0x8000, $0x38;
	[tilespmem:$0x18480] =	vst v63  }
0x96: {  	_ =	swait.ge [sflag:s24], $0x8000  }
0x97: {  	[sflag:s24] =	ssyncset.done $0x0  }
0x98: {  	[sflag:s24] =	ssyncadd.s32 $0xFFFF8000  }
0x99: {  	[hbm4b:s11+s3] =	stream.linear.scatter [tilespmem:s18], [sflag:$0x6], $0x8000, $0x38;
	[tilespmem:$0x18480] =	vst v63  }
0x9a: {  	_ =	swait.ge [sflag:s16], $0x8000  }
0x9b: {  	[sflag:s16] =	ssyncset.done $0x0  }
0x9c: {  	[sflag:s16] =	ssyncadd.s32 $0xFFFF8000  }
0x9d: {  	[hbm4b:s10+s3] =	stream.linear.scatter [tilespmem:s3], [sflag:$0x4], $0x8000, $0x38;
	[tilespmem:$0x18480] =	vst v63  }
0x9e: {  	_ =	swait.ge [sflag:s13], $0x8000  }
0x9f: {  	[sflag:s13] =	ssyncset.done $0x0  }
0xa0: {  	[sflag:s13] =	ssyncadd.s32 $0xFFFF8000  }
0xa1: {  	_ =	swait.ge [sflag:s12], $0x8000  }
0xa2: {  	[sflag:s12] =	ssyncset.done $0x0  }
0xa3: {  	[sflag:s12] =	ssyncadd.s32 $0xFFFF8000  }
0xa4: {  	_ =	swait.ge [sflag:s14], $0x8000  }
0xa5: {  	[sflag:s14] =	ssyncset.done $0x0  }
0xa6: {  	[sflag:s14] =	ssyncadd.s32 $0xFFFF8000  }
0xa7: {  	[tilespmem:s6], [sflag:$0x8] =	stream.linear.gather [hbm4b:s5+s3], $0x80, $0x38;
	[tilespmem:$0x18480] =	vst v63  }
0xa8: {  	_ =	swait.ge [sflag:s8], $0x80  }
0xa9: {  	[sflag:s8] =	ssyncset.done $0x0  }
0xaa: {  	[sflag:s8] =	ssyncadd.s32 $0xFFFFFF80  }
0xab: {  	[tilespmem:s9], [sflag:$0x8] =	stream.linear.gather [hbm4b:s4+s3], $0x400, $0x38;
	[tilespmem:$0x18480] =	vst v63  }
0xac: {  	_ =	swait.ge [sflag:s8], $0x400  }
0xad: {  	p1 =	sne.s32 s2, $0x1;
	[sflag:s8] =	ssyncset.done $0x0  }
.Ltmp1:
0xae: {  	[sflag:s8] =	ssyncadd.s32 $0xFFFFFC00;
	(pc) =	sbr.rel @!p1 .LBB2_2-.Ltmp1, $4  }
0xaf: {  	s1 =	rddreg [dreg:$0x2]  }
0xb0: {  	[hbm4b:s1+s8] =	stream.indirect.scatter [tilespmem:s9], [sflag:$0x7], $0x80, s6, s8, $0xb8;
	[tilespmem:$0x18480] =	vst v63  }
0xb1: {  	p0 =	por $0x1, $0x1;
	_ =	swait.ge [sflag:s7], $0x400  }
0xb2: {  	s1 =	sadd.s32 $0xFFFFFFFF, s2;
	s0 =	rddreg [dreg:$0x4];
	[sflag:s7] =	ssyncset.done $0x0  }
.LBB2_3:
0xb3: {  	[sflag:s7] =	ssyncadd.s32 $0xFFFFFC00  }
0xb4: {  	[tilespmem:s3], [sflag:$0x1] =	stream.linear.gather [hbm4b:s0+s3], $0x8000, $0x38;
	[tilespmem:$0x18480] =	vst v63  }
0xb5: {  	s2 =	rddreg [dreg:$0x5]  }
0xb6: {  	[tilespmem:s20], [sflag:$0x2] =	stream.linear.gather [hbm4b:s2+s3], $0x8000, $0x38;
	[tilespmem:$0x18480] =	vst v63  }
0xb7: {  	s0 =	rddreg [dreg:$0x6]  }
0xb8: {  	[tilespmem:s18], [sflag:$0x3] =	stream.linear.gather [hbm4b:s0+s3], $0x8000, $0x38;
	[tilespmem:$0x18480] =	vst v63  }
0xb9: {  	_ =	swait.ge [sflag:s16], $0x8000  }
0xba: {  	[sflag:s16] =	ssyncset.done $0x0  }
0xbb: {  	s2 =	rddreg [dreg:$0x7];
	[sflag:s16] =	ssyncadd.s32 $0xFFFF8000  }
0xbc: {  	[hbm4b:s2+s3] =	stream.linear.scatter [tilespmem:s3], [sflag:$0x4], $0x8000, $0x38;
	[tilespmem:$0x18480] =	vst v63  }
0xbd: {  	_ =	swait.ge [sflag:s13], $0x8000  }
0xbe: {  	[sflag:s13] =	ssyncset.done $0x0  }
0xbf: {  	s2 =	rddreg [dreg:$0x8];
	[sflag:s13] =	ssyncadd.s32 $0xFFFF8000  }
0xc0: {  	[tilespmem:s3], [sflag:$0x1] =	stream.linear.gather [hbm4b:s2+s3], $0x8000, $0x38;
	[tilespmem:$0x18480] =	vst v63  }
0xc1: {  	_ =	swait.ge [sflag:s23], $0x8000  }
0xc2: {  	[sflag:s23] =	ssyncset.done $0x0  }
0xc3: {  	s2 =	rddreg [dreg:$0x9];
	[sflag:s23] =	ssyncadd.s32 $0xFFFF8000  }
0xc4: {  	[hbm4b:s2+s3] =	stream.linear.scatter [tilespmem:s20], [sflag:$0x5], $0x8000, $0x38;
	[tilespmem:$0x18480] =	vst v63  }
0xc5: {  	_ =	swait.ge [sflag:s12], $0x8000  }
0xc6: {  	[sflag:s12] =	ssyncset.done $0x0  }
0xc7: {  	s2 =	rddreg [dreg:$0xa];
	[sflag:s12] =	ssyncadd.s32 $0xFFFF8000  }
0xc8: {  	[tilespmem:s20], [sflag:$0x2] =	stream.linear.gather [hbm4b:s2+s3], $0x8000, $0x38;
	[tilespmem:$0x18480] =	vst v63  }
0xc9: {  	_ =	swait.ge [sflag:s24], $0x8000  }
0xca: {  	[sflag:s24] =	ssyncset.done $0x0  }
0xcb: {  	s2 =	rddreg [dreg:$0xb];
	[sflag:s24] =	ssyncadd.s32 $0xFFFF8000  }
0xcc: {  	[hbm4b:s2+s3] =	stream.linear.scatter [tilespmem:s18], [sflag:$0x6], $0x8000, $0x38;
	[tilespmem:$0x18480] =	vst v63  }
0xcd: {  	_ =	swait.ge [sflag:s14], $0x8000  }
0xce: {  	[sflag:s14] =	ssyncset.done $0x0  }
0xcf: {  	s2 =	rddreg [dreg:$0xc];
	[sflag:s14] =	ssyncadd.s32 $0xFFFF8000  }
0xd0: {  	[tilespmem:s18], [sflag:$0x3] =	stream.linear.gather [hbm4b:s2+s3], $0x8000, $0x38;
	[tilespmem:$0x18480] =	vst v63  }
0xd1: {  	_ =	swait.ge [sflag:s16], $0x8000  }
0xd2: {  	[sflag:s16] =	ssyncset.done $0x0  }
0xd3: {  	s2 =	rddreg [dreg:$0xd];
	[sflag:s16] =	ssyncadd.s32 $0xFFFF8000  }
0xd4: {  	[hbm4b:s2+s3] =	stream.linear.scatter [tilespmem:s3], [sflag:$0x4], $0x8000, $0x38;
	[tilespmem:$0x18480] =	vst v63  }
0xd5: {  	_ =	swait.ge [sflag:s13], $0x8000  }
0xd6: {  	[sflag:s13] =	ssyncset.done $0x0  }
0xd7: {  	s2 =	rddreg [dreg:$0xe];
	[sflag:s13] =	ssyncadd.s32 $0xFFFF8000  }
0xd8: {  	[tilespmem:s3], [sflag:$0x1] =	stream.linear.gather [hbm4b:s2+s3], $0x8000, $0x38;
	[tilespmem:$0x18480] =	vst v63  }
0xd9: {  	_ =	swait.ge [sflag:s23], $0x8000  }
0xda: {  	[sflag:s23] =	ssyncset.done $0x0  }
0xdb: {  	s2 =	rddreg [dreg:$0xf];
	[sflag:s23] =	ssyncadd.s32 $0xFFFF8000  }
0xdc: {  	[hbm4b:s2+s3] =	stream.linear.scatter [tilespmem:s20], [sflag:$0x5], $0x8000, $0x38;
	[tilespmem:$0x18480] =	vst v63  }
0xdd: {  	_ =	swait.ge [sflag:s12], $0x8000  }
0xde: {  	[sflag:s12] =	ssyncset.done $0x0  }
0xdf: {  	s2 =	rddreg [dreg:$0x10];
	[sflag:s12] =	ssyncadd.s32 $0xFFFF8000  }
0xe0: {  	[tilespmem:s20], [sflag:$0x2] =	stream.linear.gather [hbm4b:s2+s3], $0x8000, $0x38;
	[tilespmem:$0x18480] =	vst v63  }
0xe1: {  	_ =	swait.ge [sflag:s24], $0x8000  }
0xe2: {  	[sflag:s24] =	ssyncset.done $0x0  }
0xe3: {  	s2 =	rddreg [dreg:$0x11];
	[sflag:s24] =	ssyncadd.s32 $0xFFFF8000  }
0xe4: {  	[hbm4b:s2+s3] =	stream.linear.scatter [tilespmem:s18], [sflag:$0x6], $0x8000, $0x38;
	[tilespmem:$0x18480] =	vst v63  }
0xe5: {  	_ =	swait.ge [sflag:s14], $0x8000  }
0xe6: {  	[sflag:s14] =	ssyncset.done $0x0  }
0xe7: {  	s2 =	rddreg [dreg:$0x12];
	[sflag:s14] =	ssyncadd.s32 $0xFFFF8000  }
0xe8: {  	[tilespmem:s18], [sflag:$0x3] =	stream.linear.gather [hbm4b:s2+s3], $0x8000, $0x38;
	[tilespmem:$0x18480] =	vst v63  }
0xe9: {  	_ =	swait.ge [sflag:s16], $0x8000  }
0xea: {  	[sflag:s16] =	ssyncset.done $0x0  }
0xeb: {  	s2 =	rddreg [dreg:$0x13];
	[sflag:s16] =	ssyncadd.s32 $0xFFFF8000  }
0xec: {  	[hbm4b:s2+s3] =	stream.linear.scatter [tilespmem:s3], [sflag:$0x4], $0x8000, $0x38;
	[tilespmem:$0x18480] =	vst v63  }
0xed: {  	_ =	swait.ge [sflag:s13], $0x8000  }
0xee: {  	[sflag:s13] =	ssyncset.done $0x0  }
0xef: {  	s2 =	rddreg [dreg:$0x14];
	[sflag:s13] =	ssyncadd.s32 $0xFFFF8000  }
0xf0: {  	[tilespmem:s3], [sflag:$0x1] =	stream.linear.gather [hbm4b:s2+s3], $0x8000, $0x38;
	[tilespmem:$0x18480] =	vst v63  }
0xf1: {  	_ =	swait.ge [sflag:s23], $0x8000  }
0xf2: {  	[sflag:s23] =	ssyncset.done $0x0  }
0xf3: {  	s2 =	rddreg [dreg:$0x15];
	[sflag:s23] =	ssyncadd.s32 $0xFFFF8000  }
0xf4: {  	[hbm4b:s2+s3] =	stream.linear.scatter [tilespmem:s20], [sflag:$0x5], $0x8000, $0x38;
	[tilespmem:$0x18480] =	vst v63  }
0xf5: {  	_ =	swait.ge [sflag:s12], $0x8000  }
0xf6: {  	[sflag:s12] =	ssyncset.done $0x0  }
0xf7: {  	s2 =	rddreg [dreg:$0x16];
	[sflag:s12] =	ssyncadd.s32 $0xFFFF8000  }
0xf8: {  	[tilespmem:s20], [sflag:$0x2] =	stream.linear.gather [hbm4b:s2+s3], $0x8000, $0x38;
	[tilespmem:$0x18480] =	vst v63  }
0xf9: {  	_ =	swait.ge [sflag:s24], $0x8000  }
0xfa: {  	[sflag:s24] =	ssyncset.done $0x0  }
0xfb: {  	[sflag:s24] =	ssyncadd.s32 $0xFFFF8000  }
0xfc: {  	[hbm4b:s31+s3] =	stream.linear.scatter [tilespmem:s18], [sflag:$0x6], $0x8000, $0x38;
	[tilespmem:$0x18480] =	vst v63  }
0xfd: {  	_ =	swait.ge [sflag:s14], $0x8000  }
0xfe: {  	[sflag:s14] =	ssyncset.done $0x0  }
0xff: {  	[sflag:s14] =	ssyncadd.s32 $0xFFFF8000  }
0x100: {  	[tilespmem:s18], [sflag:$0x3] =	stream.linear.gather [hbm4b:s30+s3], $0x8000, $0x38;
	[tilespmem:$0x18480] =	vst v63  }
0x101: {  	_ =	swait.ge [sflag:s16], $0x8000  }
0x102: {  	[sflag:s16] =	ssyncset.done $0x0  }
0x103: {  	[sflag:s16] =	ssyncadd.s32 $0xFFFF8000  }
0x104: {  	[hbm4b:s29+s3] =	stream.linear.scatter [tilespmem:s3], [sflag:$0x4], $0x8000, $0x38;
	[tilespmem:$0x18480] =	vst v63  }
0x105: {  	_ =	swait.ge [sflag:s13], $0x8000  }
0x106: {  	[sflag:s13] =	ssyncset.done $0x0  }
0x107: {  	[sflag:s13] =	ssyncadd.s32 $0xFFFF8000  }
0x108: {  	[tilespmem:s3], [sflag:$0x1] =	stream.linear.gather [hbm4b:s28+s3], $0x8000, $0x38;
	[tilespmem:$0x18480] =	vst v63  }
0x109: {  	_ =	swait.ge [sflag:s23], $0x8000  }
0x10a: {  	[sflag:s23] =	ssyncset.done $0x0  }
0x10b: {  	[sflag:s23] =	ssyncadd.s32 $0xFFFF8000  }
0x10c: {  	[hbm4b:s26+s3] =	stream.linear.scatter [tilespmem:s20], [sflag:$0x5], $0x8000, $0x38;
	[tilespmem:$0x18480] =	vst v63  }
0x10d: {  	_ =	swait.ge [sflag:s12], $0x8000  }
0x10e: {  	[sflag:s12] =	ssyncset.done $0x0  }
0x10f: {  	[sflag:s12] =	ssyncadd.s32 $0xFFFF8000  }
0x110: {  	[tilespmem:s20], [sflag:$0x2] =	stream.linear.gather [hbm4b:s25+s3], $0x8000, $0x38;
	[tilespmem:$0x18480] =	vst v63  }
0x111: {  	_ =	swait.ge [sflag:s24], $0x8000  }
0x112: {  	[sflag:s24] =	ssyncset.done $0x0  }
0x113: {  	[sflag:s24] =	ssyncadd.s32 $0xFFFF8000  }
0x114: {  	[hbm4b:s22+s3] =	stream.linear.scatter [tilespmem:s18], [sflag:$0x6], $0x8000, $0x38;
	[tilespmem:$0x18480] =	vst v63  }
0x115: {  	_ =	swait.ge [sflag:s14], $0x8000  }
0x116: {  	[sflag:s14] =	ssyncset.done $0x0  }
0x117: {  	[sflag:s14] =	ssyncadd.s32 $0xFFFF8000  }
0x118: {  	[tilespmem:s18], [sflag:$0x3] =	stream.linear.gather [hbm4b:s21+s3], $0x8000, $0x38;
	[tilespmem:$0x18480] =	vst v63  }
0x119: {  	_ =	swait.ge [sflag:s16], $0x8000  }
0x11a: {  	[sflag:s16] =	ssyncset.done $0x0  }
0x11b: {  	[sflag:s16] =	ssyncadd.s32 $0xFFFF8000  }
0x11c: {  	[hbm4b:s19+s3] =	stream.linear.scatter [tilespmem:s3], [sflag:$0x4], $0x8000, $0x38;
	[tilespmem:$0x18480] =	vst v63  }
0x11d: {  	_ =	swait.ge [sflag:s13], $0x8000  }
0x11e: {  	[sflag:s13] =	ssyncset.done $0x0  }
0x11f: {  	[sflag:s13] =	ssyncadd.s32 $0xFFFF8000  }
0x120: {  	[tilespmem:s3], [sflag:$0x1] =	stream.linear.gather [hbm4b:s17+s3], $0x8000, $0x38;
	[tilespmem:$0x18480] =	vst v63  }
0x121: {  	_ =	swait.ge [sflag:s23], $0x8000  }
0x122: {  	[sflag:s23] =	ssyncset.done $0x0  }
0x123: {  	[sflag:s23] =	ssyncadd.s32 $0xFFFF8000  }
0x124: {  	[hbm4b:s15+s3] =	stream.linear.scatter [tilespmem:s20], [sflag:$0x5], $0x8000, $0x38;
	[tilespmem:$0x18480] =	vst v63  }
0x125: {  	_ =	swait.ge [sflag:s24], $0x8000  }
0x126: {  	[sflag:s24] =	ssyncset.done $0x0  }
0x127: {  	[sflag:s24] =	ssyncadd.s32 $0xFFFF8000  }
0x128: {  	[hbm4b:s11+s3] =	stream.linear.scatter [tilespmem:s18], [sflag:$0x6], $0x8000, $0x38;
	[tilespmem:$0x18480] =	vst v63  }
0x129: {  	_ =	swait.ge [sflag:s16], $0x8000  }
0x12a: {  	[sflag:s16] =	ssyncset.done $0x0  }
0x12b: {  	[sflag:s16] =	ssyncadd.s32 $0xFFFF8000  }
0x12c: {  	[hbm4b:s10+s3] =	stream.linear.scatter [tilespmem:s3], [sflag:$0x4], $0x8000, $0x38;
	[tilespmem:$0x18480] =	vst v63  }
0x12d: {  	_ =	swait.ge [sflag:s13], $0x8000  }
0x12e: {  	[sflag:s13] =	ssyncset.done $0x0  }
0x12f: {  	[sflag:s13] =	ssyncadd.s32 $0xFFFF8000  }
0x130: {  	_ =	swait.ge [sflag:s12], $0x8000  }
0x131: {  	[sflag:s12] =	ssyncset.done $0x0  }
0x132: {  	[sflag:s12] =	ssyncadd.s32 $0xFFFF8000  }
0x133: {  	_ =	swait.ge [sflag:s14], $0x8000  }
0x134: {  	[sflag:s14] =	ssyncset.done $0x0  }
0x135: {  	[sflag:s14] =	ssyncadd.s32 $0xFFFF8000  }
0x136: {  	[tilespmem:s6], [sflag:$0x8] =	stream.linear.gather [hbm4b:s5+s3], $0x80, $0x38;
	[tilespmem:$0x18480] =	vst v63  }
0x137: {  	_ =	swait.ge [sflag:s8], $0x80  }
0x138: {  	[sflag:s8] =	ssyncset.done $0x0  }
0x139: {  	[sflag:s8] =	ssyncadd.s32 $0xFFFFFF80  }
0x13a: {  	[tilespmem:s9], [sflag:$0x8] =	stream.linear.gather [hbm4b:s4+s3], $0x400, $0x38;
	[tilespmem:$0x18480] =	vst v63  }
0x13b: {  	_ =	swait.ge [sflag:s8], $0x400  }
0x13c: {  	p1 =	sne.s32 s1, $0x1;
	[sflag:s8] =	ssyncset.done $0x0  }
.Ltmp2:
0x13d: {  	[sflag:s8] =	ssyncadd.s32 $0xFFFFFC00;
	(pc) =	sbr.rel @p1 .LBB2_3-.Ltmp2, $4  }
0x13e: {  	s2 =	rddreg [dreg:$0x2]  }
0x13f: {  	[hbm4b:s2+s8] =	stream.indirect.scatter [tilespmem:s9], [sflag:$0x7], $0x80, s6, s8, $0xb8;
	[tilespmem:$0x18480] =	vst v63  }
0x140: {  	_ =	swait.ge [sflag:s7], $0x400  }
0x141: {  	s1 =	sadd.s32 $0xFFFFFFFF, s1;
	s0 =	rddreg [dreg:$0x4];
	[sflag:s7] =	ssyncset.done $0x0  }
0x142: {  	s2 =	stileid.u32  }
.LBB2_5:
0x143: {  	[sflag:s7] =	ssyncadd.s32 @p0 $0xFFFFFC00  }
0x144: {  	[tilespmem:s3], [sflag:$0x1] =	stream.linear.gather [hbm4b:s0+s3], $0x8000, $0x38;
	[tilespmem:$0x18480] =	vst v63  }
0x145: {  	s1 =	rddreg [dreg:$0x5]  }
0x146: {  	[tilespmem:s20], [sflag:$0x2] =	stream.linear.gather [hbm4b:s1+s3], $0x8000, $0x38;
	[tilespmem:$0x18480] =	vst v63  }
0x147: {  	s0 =	rddreg [dreg:$0x6]  }
0x148: {  	[tilespmem:s18], [sflag:$0x3] =	stream.linear.gather [hbm4b:s0+s3], $0x8000, $0x38;
	[tilespmem:$0x18480] =	vst v63  }
0x149: {  	_ =	swait.ge [sflag:s16], $0x8000  }
0x14a: {  	[sflag:s16] =	ssyncset.done $0x0  }
0x14b: {  	s1 =	rddreg [dreg:$0x7];
	[sflag:s16] =	ssyncadd.s32 $0xFFFF8000  }
0x14c: {  	[hbm4b:s1+s3] =	stream.linear.scatter [tilespmem:s3], [sflag:$0x4], $0x8000, $0x38;
	[tilespmem:$0x18480] =	vst v63  }
0x14d: {  	_ =	swait.ge [sflag:s13], $0x8000  }
0x14e: {  	[sflag:s13] =	ssyncset.done $0x0  }
0x14f: {  	s1 =	rddreg [dreg:$0x8];
	[sflag:s13] =	ssyncadd.s32 $0xFFFF8000  }
0x150: {  	[tilespmem:s3], [sflag:$0x1] =	stream.linear.gather [hbm4b:s1+s3], $0x8000, $0x38;
	[tilespmem:$0x18480] =	vst v63  }
0x151: {  	_ =	swait.ge [sflag:s23], $0x8000  }
0x152: {  	[sflag:s23] =	ssyncset.done $0x0  }
0x153: {  	s1 =	rddreg [dreg:$0x9];
	[sflag:s23] =	ssyncadd.s32 $0xFFFF8000  }
0x154: {  	[hbm4b:s1+s3] =	stream.linear.scatter [tilespmem:s20], [sflag:$0x5], $0x8000, $0x38;
	[tilespmem:$0x18480] =	vst v63  }
0x155: {  	_ =	swait.ge [sflag:s12], $0x8000  }
0x156: {  	[sflag:s12] =	ssyncset.done $0x0  }
0x157: {  	s1 =	rddreg [dreg:$0xa];
	[sflag:s12] =	ssyncadd.s32 $0xFFFF8000  }
0x158: {  	[tilespmem:s20], [sflag:$0x2] =	stream.linear.gather [hbm4b:s1+s3], $0x8000, $0x38;
	[tilespmem:$0x18480] =	vst v63  }
0x159: {  	_ =	swait.ge [sflag:s24], $0x8000  }
0x15a: {  	[sflag:s24] =	ssyncset.done $0x0  }
0x15b: {  	s1 =	rddreg [dreg:$0xb];
	[sflag:s24] =	ssyncadd.s32 $0xFFFF8000  }
0x15c: {  	[hbm4b:s1+s3] =	stream.linear.scatter [tilespmem:s18], [sflag:$0x6], $0x8000, $0x38;
	[tilespmem:$0x18480] =	vst v63  }
0x15d: {  	_ =	swait.ge [sflag:s14], $0x8000  }
0x15e: {  	[sflag:s14] =	ssyncset.done $0x0  }
0x15f: {  	s1 =	rddreg [dreg:$0xc];
	[sflag:s14] =	ssyncadd.s32 $0xFFFF8000  }
0x160: {  	[tilespmem:s18], [sflag:$0x3] =	stream.linear.gather [hbm4b:s1+s3], $0x8000, $0x38;
	[tilespmem:$0x18480] =	vst v63  }
0x161: {  	_ =	swait.ge [sflag:s16], $0x8000  }
0x162: {  	[sflag:s16] =	ssyncset.done $0x0  }
0x163: {  	s1 =	rddreg [dreg:$0xd];
	[sflag:s16] =	ssyncadd.s32 $0xFFFF8000  }
0x164: {  	[hbm4b:s1+s3] =	stream.linear.scatter [tilespmem:s3], [sflag:$0x4], $0x8000, $0x38;
	[tilespmem:$0x18480] =	vst v63  }
0x165: {  	_ =	swait.ge [sflag:s13], $0x8000  }
0x166: {  	[sflag:s13] =	ssyncset.done $0x0  }
0x167: {  	s1 =	rddreg [dreg:$0xe];
	[sflag:s13] =	ssyncadd.s32 $0xFFFF8000  }
0x168: {  	[tilespmem:s3], [sflag:$0x1] =	stream.linear.gather [hbm4b:s1+s3], $0x8000, $0x38;
	[tilespmem:$0x18480] =	vst v63  }
0x169: {  	_ =	swait.ge [sflag:s23], $0x8000  }
0x16a: {  	[sflag:s23] =	ssyncset.done $0x0  }
0x16b: {  	s1 =	rddreg [dreg:$0xf];
	[sflag:s23] =	ssyncadd.s32 $0xFFFF8000  }
0x16c: {  	[hbm4b:s1+s3] =	stream.linear.scatter [tilespmem:s20], [sflag:$0x5], $0x8000, $0x38;
	[tilespmem:$0x18480] =	vst v63  }
0x16d: {  	_ =	swait.ge [sflag:s12], $0x8000  }
0x16e: {  	[sflag:s12] =	ssyncset.done $0x0  }
0x16f: {  	s1 =	rddreg [dreg:$0x10];
	[sflag:s12] =	ssyncadd.s32 $0xFFFF8000  }
0x170: {  	[tilespmem:s20], [sflag:$0x2] =	stream.linear.gather [hbm4b:s1+s3], $0x8000, $0x38;
	[tilespmem:$0x18480] =	vst v63  }
0x171: {  	_ =	swait.ge [sflag:s24], $0x8000  }
0x172: {  	[sflag:s24] =	ssyncset.done $0x0  }
0x173: {  	s1 =	rddreg [dreg:$0x11];
	[sflag:s24] =	ssyncadd.s32 $0xFFFF8000  }
0x174: {  	[hbm4b:s1+s3] =	stream.linear.scatter [tilespmem:s18], [sflag:$0x6], $0x8000, $0x38;
	[tilespmem:$0x18480] =	vst v63  }
0x175: {  	_ =	swait.ge [sflag:s14], $0x8000  }
0x176: {  	[sflag:s14] =	ssyncset.done $0x0  }
0x177: {  	s1 =	rddreg [dreg:$0x12];
	[sflag:s14] =	ssyncadd.s32 $0xFFFF8000  }
0x178: {  	[tilespmem:s18], [sflag:$0x3] =	stream.linear.gather [hbm4b:s1+s3], $0x8000, $0x38;
	[tilespmem:$0x18480] =	vst v63  }
0x179: {  	_ =	swait.ge [sflag:s16], $0x8000  }
0x17a: {  	[sflag:s16] =	ssyncset.done $0x0  }
0x17b: {  	s1 =	rddreg [dreg:$0x13];
	[sflag:s16] =	ssyncadd.s32 $0xFFFF8000  }
0x17c: {  	[hbm4b:s1+s3] =	stream.linear.scatter [tilespmem:s3], [sflag:$0x4], $0x8000, $0x38;
	[tilespmem:$0x18480] =	vst v63  }
0x17d: {  	_ =	swait.ge [sflag:s13], $0x8000  }
0x17e: {  	[sflag:s13] =	ssyncset.done $0x0  }
0x17f: {  	s1 =	rddreg [dreg:$0x14];
	[sflag:s13] =	ssyncadd.s32 $0xFFFF8000  }
0x180: {  	[tilespmem:s3], [sflag:$0x1] =	stream.linear.gather [hbm4b:s1+s3], $0x8000, $0x38;
	[tilespmem:$0x18480] =	vst v63  }
0x181: {  	_ =	swait.ge [sflag:s23], $0x8000  }
0x182: {  	[sflag:s23] =	ssyncset.done $0x0  }
0x183: {  	s1 =	rddreg [dreg:$0x15];
	[sflag:s23] =	ssyncadd.s32 $0xFFFF8000  }
0x184: {  	[hbm4b:s1+s3] =	stream.linear.scatter [tilespmem:s20], [sflag:$0x5], $0x8000, $0x38;
	[tilespmem:$0x18480] =	vst v63  }
0x185: {  	_ =	swait.ge [sflag:s12], $0x8000  }
0x186: {  	[sflag:s12] =	ssyncset.done $0x0  }
0x187: {  	s1 =	rddreg [dreg:$0x16];
	[sflag:s12] =	ssyncadd.s32 $0xFFFF8000  }
0x188: {  	[tilespmem:s20], [sflag:$0x2] =	stream.linear.gather [hbm4b:s1+s3], $0x8000, $0x38;
	[tilespmem:$0x18480] =	vst v63  }
0x189: {  	_ =	swait.ge [sflag:s24], $0x8000  }
0x18a: {  	[sflag:s24] =	ssyncset.done $0x0  }
0x18b: {  	[sflag:s24] =	ssyncadd.s32 $0xFFFF8000  }
0x18c: {  	[hbm4b:s31+s3] =	stream.linear.scatter [tilespmem:s18], [sflag:$0x6], $0x8000, $0x38;
	[tilespmem:$0x18480] =	vst v63  }
0x18d: {  	_ =	swait.ge [sflag:s14], $0x8000  }
0x18e: {  	[sflag:s14] =	ssyncset.done $0x0  }
0x18f: {  	[sflag:s14] =	ssyncadd.s32 $0xFFFF8000  }
0x190: {  	[tilespmem:s18], [sflag:$0x3] =	stream.linear.gather [hbm4b:s30+s3], $0x8000, $0x38;
	[tilespmem:$0x18480] =	vst v63  }
0x191: {  	_ =	swait.ge [sflag:s16], $0x8000  }
0x192: {  	[sflag:s16] =	ssyncset.done $0x0  }
0x193: {  	[sflag:s16] =	ssyncadd.s32 $0xFFFF8000  }
0x194: {  	[hbm4b:s29+s3] =	stream.linear.scatter [tilespmem:s3], [sflag:$0x4], $0x8000, $0x38;
	[tilespmem:$0x18480] =	vst v63  }
0x195: {  	_ =	swait.ge [sflag:s13], $0x8000  }
0x196: {  	[sflag:s13] =	ssyncset.done $0x0  }
0x197: {  	[sflag:s13] =	ssyncadd.s32 $0xFFFF8000  }
0x198: {  	[tilespmem:s3], [sflag:$0x1] =	stream.linear.gather [hbm4b:s28+s3], $0x8000, $0x38;
	[tilespmem:$0x18480] =	vst v63  }
0x199: {  	_ =	swait.ge [sflag:s23], $0x8000  }
0x19a: {  	[sflag:s23] =	ssyncset.done $0x0  }
0x19b: {  	[sflag:s23] =	ssyncadd.s32 $0xFFFF8000  }
0x19c: {  	[hbm4b:s26+s3] =	stream.linear.scatter [tilespmem:s20], [sflag:$0x5], $0x8000, $0x38;
	[tilespmem:$0x18480] =	vst v63  }
0x19d: {  	_ =	swait.ge [sflag:s12], $0x8000  }
0x19e: {  	[sflag:s12] =	ssyncset.done $0x0  }
0x19f: {  	[sflag:s12] =	ssyncadd.s32 $0xFFFF8000  }
0x1a0: {  	[tilespmem:s20], [sflag:$0x2] =	stream.linear.gather [hbm4b:s25+s3], $0x8000, $0x38;
	[tilespmem:$0x18480] =	vst v63  }
0x1a1: {  	_ =	swait.ge [sflag:s24], $0x8000  }
0x1a2: {  	[sflag:s24] =	ssyncset.done $0x0  }
0x1a3: {  	[sflag:s24] =	ssyncadd.s32 $0xFFFF8000  }
0x1a4: {  	[hbm4b:s22+s3] =	stream.linear.scatter [tilespmem:s18], [sflag:$0x6], $0x8000, $0x38;
	[tilespmem:$0x18480] =	vst v63  }
0x1a5: {  	_ =	swait.ge [sflag:s14], $0x8000  }
0x1a6: {  	[sflag:s14] =	ssyncset.done $0x0  }
0x1a7: {  	[sflag:s14] =	ssyncadd.s32 $0xFFFF8000  }
0x1a8: {  	[tilespmem:s18], [sflag:$0x3] =	stream.linear.gather [hbm4b:s21+s3], $0x8000, $0x38;
	[tilespmem:$0x18480] =	vst v63  }
0x1a9: {  	_ =	swait.ge [sflag:s16], $0x8000  }
0x1aa: {  	[sflag:s16] =	ssyncset.done $0x0  }
0x1ab: {  	[sflag:s16] =	ssyncadd.s32 $0xFFFF8000  }
0x1ac: {  	[hbm4b:s19+s3] =	stream.linear.scatter [tilespmem:s3], [sflag:$0x4], $0x8000, $0x38;
	[tilespmem:$0x18480] =	vst v63  }
0x1ad: {  	_ =	swait.ge [sflag:s13], $0x8000  }
0x1ae: {  	[sflag:s13] =	ssyncset.done $0x0  }
0x1af: {  	[sflag:s13] =	ssyncadd.s32 $0xFFFF8000  }
0x1b0: {  	[tilespmem:s3], [sflag:$0x1] =	stream.linear.gather [hbm4b:s17+s3], $0x8000, $0x38;
	[tilespmem:$0x18480] =	vst v63  }
0x1b1: {  	_ =	swait.ge [sflag:s23], $0x8000  }
0x1b2: {  	[sflag:s23] =	ssyncset.done $0x0  }
0x1b3: {  	[sflag:s23] =	ssyncadd.s32 $0xFFFF8000  }
0x1b4: {  	[hbm4b:s15+s3] =	stream.linear.scatter [tilespmem:s20], [sflag:$0x5], $0x8000, $0x38;
	[tilespmem:$0x18480] =	vst v63  }
0x1b5: {  	_ =	swait.ge [sflag:s24], $0x8000  }
0x1b6: {  	[sflag:s24] =	ssyncset.done $0x0  }
0x1b7: {  	[sflag:s24] =	ssyncadd.s32 $0xFFFF8000  }
0x1b8: {  	[hbm4b:s11+s3] =	stream.linear.scatter [tilespmem:s18], [sflag:$0x6], $0x8000, $0x38;
	[tilespmem:$0x18480] =	vst v63  }
0x1b9: {  	_ =	swait.ge [sflag:s16], $0x8000  }
0x1ba: {  	[sflag:s16] =	ssyncset.done $0x0  }
0x1bb: {  	[sflag:s16] =	ssyncadd.s32 $0xFFFF8000  }
0x1bc: {  	[hbm4b:s10+s3] =	stream.linear.scatter [tilespmem:s3], [sflag:$0x4], $0x8000, $0x38;
	[tilespmem:$0x18480] =	vst v63  }
0x1bd: {  	_ =	swait.ge [sflag:s13], $0x8000  }
0x1be: {  	[sflag:s13] =	ssyncset.done $0x0  }
0x1bf: {  	[sflag:s13] =	ssyncadd.s32 $0xFFFF8000  }
0x1c0: {  	_ =	swait.ge [sflag:s12], $0x8000  }
0x1c1: {  	[sflag:s12] =	ssyncset.done $0x0  }
0x1c2: {  	[sflag:s12] =	ssyncadd.s32 $0xFFFF8000  }
0x1c3: {  	_ =	swait.ge [sflag:s14], $0x8000  }
0x1c4: {  	[sflag:s14] =	ssyncset.done $0x0  }
0x1c5: {  	[sflag:s14] =	ssyncadd.s32 $0xFFFF8000  }
0x1c6: {  	[tilespmem:s6], [sflag:$0x8] =	stream.linear.gather [hbm4b:s5+s3], $0x80, $0x38;
	[tilespmem:$0x18480] =	vst v63  }
0x1c7: {  	_ =	swait.ge [sflag:s8], $0x80  }
0x1c8: {  	[sflag:s8] =	ssyncset.done $0x0  }
0x1c9: {  	[sflag:s8] =	ssyncadd.s32 $0xFFFFFF80  }
0x1ca: {  	[tilespmem:s9], [sflag:$0x8] =	stream.linear.gather [hbm4b:s4+s3], $0x400, $0x38;
	[tilespmem:$0x18480] =	vst v63  }
0x1cb: {  	_ =	swait.ge [sflag:s8], $0x400  }
0x1cc: {  	[sflag:s8] =	ssyncset.done $0x0  }
0x1cd: {  	[sflag:s8] =	ssyncadd.s32 $0xFFFFFC00  }
0x1ce: {  	s31 =	rddreg [dreg:$0x2]  }
0x1cf: {  	[hbm4b:s31+s8] =	stream.indirect.scatter [tilespmem:s9], [sflag:$0x7], $0x80, s6, s8, $0xb8;
	[tilespmem:$0x18480] =	vst v63  }
0x1d0: {  	_ =	swait.ge [sflag:s7], $0x400  }
0x1d1: {  	[sflag:s7] =	ssyncset.done $0x0  }
0x1d2: {  	[sflag:s7] =	ssyncadd.s32 $0xFFFFFC00  }
0x1d3: {  	_ =	sfence.sel $0x180000  }
0x1d4: {  	[bflag:$0x0] =	sbarrier.arrive $0xFFFF  }
0x1d5: {  	_ =	strace $0x90000047  }
0x1d6: {  	[bflag:$0x2] =	sbarrier.arrive $0xFFFF  }
0x1d7: {  	p0 =	sne.s32 s2, $0x0;
	s0 =	rddreg [dreg:$0x3]  }
0x1d8: {  	s0 =	sadd.s32 @!p0 $0x100000, s0  }
0x1d9: {  	[sflag:s0] =	ssyncadd.tile.s32 @!p0 $0x1;
	_ =	shalt  }
.LBB2_2:
.Ltmp3:
0x1da: {  	(pc) =	sbr.rel .LBB2_5-.Ltmp3, $2  }
0x1db: {  	_ =	sdelay $0x2  }
0x1dc: {  	s2 =	stileid.u32  }
.Lfunc_end2:
_tile_overlayer_lowered:
.L_overlay_start_2:
0x1dd: {  	(tag) =	ssettag $0x2  }
0x1de: {  	s0 =	rddreg [dreg:$0x0];
	s2 =	stileid.u32  }
0x1df: {  	s1 =	rddreg [dreg:$0x1];
	p0 =	sne.s32 s2, $0x0  }
0x1e0: {  	s3 =	rddreg [dreg:$0x2];
	[bflag:$0x3] =	sbarrier.arrive $0xFFFF;
	s2 =	simm.s32 @!p0 $0x1C08  }
0x1e1: {  	[timem:s3], [sflag:s2] =	dma.local @!p0 [hbm:s0], s1  }
0x1e2: {  	s0 =	simm.s32 @!p0 $0x8  }
0x1e3: {  	_ =	swait.ge @!p0 [sflag:s0], s1  }
0x1e4: {  	s1 =	ssub.s32 @!p0 $0x0, s1;
	[sflag:s0] =	ssyncset.done @!p0 $0x0  }
0x1e5: {  	[sflag:s0] =	ssyncadd.s32 @!p0 s1  }
0x1e6: {  	[bflag:$0x3] =	sbarrier.arrive $0xFFFF  }
0x1e7: {  	_ =	shalt  }

</sc_bundles>
